<compile_context>
chip_gen: v7x
topology: tpu7x:2x2x1
jax: 0.10.2.dev20260603
libtpu: 0.0.44.dev20260713+nightly
codegen_flags: <defaults>
</compile_context>

<pallas_src>
import functools

import jax
import jax.numpy as jnp
import numpy as np
from jax import lax
from jax.experimental import pallas as pl
from jax.experimental.pallas import tpu as pltpu
from jax.experimental.pallas import tpu_sc as plsc

H = 4
C = 64
D_IN = 260
D_H = 256
N_NODES = 10000
E_EDGES = 160000
ROW_BLK = 400
EDGE_BLK = 256
W_COLS = 384
NW = 32
HALF = 5120
EPW = E_EDGES // NW


def _proj_body(x_ref, w_ref, b_ref, xl_ref, xr_ref, id_ref):
    acc = (
        jnp.dot(x_ref[...], w_ref[...], preferred_element_type=jnp.float32)
        + b_ref[...]
    )
    xl_ref[...] = acc[:, :D_H]
    xr_ref[...] = acc[:, D_H:2 * D_H]
    id_ref[...] = acc[:, 2 * D_H:]


def _fused_proj(x, w, b):
    n = x.shape[0]
    return pl.pallas_call(
        _proj_body,
        grid=(n // ROW_BLK,),
        in_specs=[
            pl.BlockSpec((ROW_BLK, D_IN), lambda i: (i, 0)),
            pl.BlockSpec((D_IN, 3 * D_H), lambda i: (0, 0)),
            pl.BlockSpec((1, 3 * D_H), lambda i: (0, 0)),
        ],
        out_specs=[
            pl.BlockSpec((ROW_BLK, D_H), lambda i: (i, 0)),
            pl.BlockSpec((ROW_BLK, D_H), lambda i: (i, 0)),
            pl.BlockSpec((ROW_BLK, D_H), lambda i: (i, 0)),
        ],
        out_shape=[
            jax.ShapeDtypeStruct((n, D_H), jnp.float32),
            jax.ShapeDtypeStruct((n, D_H), jnp.float32),
            jax.ShapeDtypeStruct((n, D_H), jnp.float32),
        ],
    )(x, w, b)


def _gather_body(xl_hbm, xr_hbm, src_hbm, dst_hbm, gxl_hbm, gxr_hbm,
                 sidx, didx, sidx_t, didx_t, rows_a, rows_b, sem_a, sem_b):
    cid = lax.axis_index("c")
    sid = lax.axis_index("s")
    wid = sid * 2 + cid
    base = wid * EPW

    def chunk(i, _):
        off = base + i * 128
        pltpu.sync_copy(src_hbm.at[pl.ds(off, 128)], sidx)
        pltpu.sync_copy(dst_hbm.at[pl.ds(off, 128)], didx)
        ca = pltpu.async_copy(xl_hbm.at[sidx], rows_a, sem_a)
        cb = pltpu.async_copy(xr_hbm.at[didx], rows_b, sem_b)
        ca.wait()
        cb.wait()
        pltpu.sync_copy(rows_a, gxl_hbm.at[pl.ds(off, 128)])
        pltpu.sync_copy(rows_b, gxr_hbm.at[pl.ds(off, 128)])
        return _

    lax.fori_loop(0, EPW // 128, chunk, 0)

    off = base + (EPW // 128) * 128
    pltpu.sync_copy(src_hbm.at[pl.ds(off, 8)], sidx_t)
    pltpu.sync_copy(dst_hbm.at[pl.ds(off, 8)], didx_t)
    ca = pltpu.async_copy(xl_hbm.at[sidx_t], rows_a.at[pl.ds(0, 8)], sem_a)
    cb = pltpu.async_copy(xr_hbm.at[didx_t], rows_b.at[pl.ds(0, 8)], sem_b)
    ca.wait()
    cb.wait()
    pltpu.sync_copy(rows_a.at[pl.ds(0, 8)], gxl_hbm.at[pl.ds(off, 8)])
    pltpu.sync_copy(rows_b.at[pl.ds(0, 8)], gxr_hbm.at[pl.ds(off, 8)])


_sc_gather = functools.partial(
    pl.kernel,
    _gather_body,
    out_type=(
        jax.ShapeDtypeStruct((E_EDGES, D_H), jnp.float32),
        jax.ShapeDtypeStruct((E_EDGES, D_H), jnp.float32),
    ),
    mesh=plsc.VectorSubcoreMesh(core_axis_name="c", subcore_axis_name="s"),
    scratch_types=[
        pltpu.VMEM((128,), jnp.int32),
        pltpu.VMEM((128,), jnp.int32),
        pltpu.VMEM((8,), jnp.int32),
        pltpu.VMEM((8,), jnp.int32),
        pltpu.VMEM((128, D_H), jnp.float32),
        pltpu.VMEM((128, D_H), jnp.float32),
        pltpu.SemaphoreType.DMA,
        pltpu.SemaphoreType.DMA,
    ],
)()


def _edge_body(gxl_ref, gxr_ref, ea_ref, we_ref, attbd_ref, expand_ref,
               w_ref):
    gxl = gxl_ref[...]
    eproj = jnp.dot(ea_ref[...], we_ref[...],
                    preferred_element_type=jnp.float32)
    m = gxl + gxr_ref[...] + eproj
    m = jnp.where(m >= 0.0, m, 0.2 * m)
    logits = jnp.dot(m, attbd_ref[...], preferred_element_type=jnp.float32)
    ex = jnp.exp(logits)
    exr = jnp.dot(ex, expand_ref[...],
                  preferred_element_type=jnp.float32)
    w_ref[...] = jnp.concatenate(
        [gxl * exr, ex, jnp.zeros((EDGE_BLK, W_COLS - D_H - H), jnp.float32)],
        axis=1,
    )


def _edge_payload(gxl, gxr, ea, we, attbd, expand):
    return pl.pallas_call(
        _edge_body,
        grid=(E_EDGES // EDGE_BLK,),
        in_specs=[
            pl.BlockSpec((EDGE_BLK, D_H), lambda i: (i, 0)),
            pl.BlockSpec((EDGE_BLK, D_H), lambda i: (i, 0)),
            pl.BlockSpec((EDGE_BLK, 3), lambda i: (i, 0)),
            pl.BlockSpec((3, D_H), lambda i: (0, 0)),
            pl.BlockSpec((D_H, H), lambda i: (0, 0)),
            pl.BlockSpec((H, D_H), lambda i: (0, 0)),
        ],
        out_specs=pl.BlockSpec((EDGE_BLK, W_COLS), lambda i: (i, 0)),
        out_shape=jax.ShapeDtypeStruct((E_EDGES, W_COLS), jnp.float32),
    )(gxl, gxr, ea, we, attbd, expand)


SCAT_EB = 256


def _tc_scatter_body(dst_ref, w_ref, out_ref):
    i = pl.program_id(0)

    @pl.when(i == 0)
    def _init():
        out_ref[...] = jnp.zeros_like(out_ref)

    def step(j, carry):
        d = dst_ref[j]
        out_ref[pl.ds(d, 1), :] = out_ref[pl.ds(d, 1), :] \
            + w_ref[pl.ds(j, 1), :]
        return carry

    lax.fori_loop(0, SCAT_EB, step, 0)


def _tc_scatter(w, dst):
    return pl.pallas_call(
        _tc_scatter_body,
        grid=(E_EDGES // SCAT_EB,),
        in_specs=[
            pl.BlockSpec((SCAT_EB,), lambda i: (i,),
                         memory_space=pltpu.SMEM),
            pl.BlockSpec((SCAT_EB, W_COLS), lambda i: (i, 0)),
        ],
        out_specs=pl.BlockSpec((2 * HALF, W_COLS), lambda i: (0, 0)),
        out_shape=jax.ShapeDtypeStruct((2 * HALF, W_COLS), jnp.float32),
    )(dst, w)


def _ln(x, g, b):
    mu = jnp.mean(x, axis=-1, keepdims=True)
    var = jnp.mean(jnp.square(x - mu), axis=-1, keepdims=True)
    return (x - mu) / jnp.sqrt(var + 1e-5) * g + b


def _silu(x):
    return x * jax.nn.sigmoid(x)


def _tail_body(num_ref, id_ref, h_ref, expand_ref,
               gatb_ref, n1g_ref, n1b_ref, pw_ref, pb_ref, ngg_ref, ngb_ref,
               wih_ref, bih_ref, whh_ref, bhh_ref, nhg_ref, nhb_ref,
               wh1_ref, wh1b_ref, wh2_ref, wh2b_ref,
               ap1_ref, ap1b_ref, ap2_ref, ap2b_ref,
               ad1_ref, ad1b_ref, ad2_ref, ad2b_ref,
               hn_ref, conf_ref, ap_ref, ad_ref):
    blk = num_ref[...]
    num = blk[:, :D_H]
    den = blk[:, D_H:D_H + H]
    denr = jnp.dot(den, expand_ref[...], preferred_element_type=jnp.float32)
    out = num / (denr + 1e-16) + gatb_ref[...]
    out = _ln(out, n1g_ref[...], n1b_ref[...])
    out = _silu(out) + id_ref[...]
    out = jnp.dot(out, pw_ref[...], preferred_element_type=jnp.float32) \
        + pb_ref[...]
    xs = _ln(out, ngg_ref[...], ngb_ref[...])

    h = h_ref[...]
    gi = jnp.dot(xs, wih_ref[...], preferred_element_type=jnp.float32) \
        + bih_ref[...]
    gh = jnp.dot(h, whh_ref[...], preferred_element_type=jnp.float32) \
        + bhh_ref[...]
    rg = jax.nn.sigmoid(gi[:, :D_H] + gh[:, :D_H])
    zg = jax.nn.sigmoid(gi[:, D_H:2 * D_H] + gh[:, D_H:2 * D_H])
    ng = jnp.tanh(gi[:, 2 * D_H:] + rg * gh[:, 2 * D_H:])
    hnew = _ln((1.0 - zg) * ng + zg * h, nhg_ref[...], nhb_ref[...])
    hn_ref[...] = hnew

    wr = jnp.dot(_silu(jnp.dot(hnew, wh1_ref[...],
                               preferred_element_type=jnp.float32)
                       + wh1b_ref[...]),
                 wh2_ref[...], preferred_element_type=jnp.float32) \
        + wh2b_ref[...]
    conf_ref[...] = jax.nn.sigmoid(wr[:, 0:1])
    ap = jnp.dot(_silu(jnp.dot(hnew, ap1_ref[...],
                               preferred_element_type=jnp.float32)
                       + ap1b_ref[...]),
                 ap2_ref[...], preferred_element_type=jnp.float32) \
        + ap2b_ref[...]
    ap_ref[...] = jax.nn.sigmoid(ap)
    ad = jnp.dot(_silu(jnp.dot(hnew, ad1_ref[...],
                               preferred_element_type=jnp.float32)
                       + ad1b_ref[...]),
                 ad2_ref[...], preferred_element_type=jnp.float32) \
        + ad2b_ref[...]
    ad_ref[...] = jax.nn.sigmoid(ad) * 0.1 + 0.0001


def _tail(num, identity, h_flat, expand, p):
    row = lambda v: v.reshape(1, -1)
    full = lambda shape: pl.BlockSpec(shape, lambda i: (0, 0))
    blkspec = lambda w: pl.BlockSpec((ROW_BLK, w), lambda i: (i, 0))
    return pl.pallas_call(
        _tail_body,
        grid=(N_NODES // ROW_BLK,),
        in_specs=[
            blkspec(W_COLS), blkspec(D_H), blkspec(D_H),
            full((H, D_H)),
            full((1, D_H)), full((1, D_H)), full((1, D_H)),
            full((D_H, D_H)), full((1, D_H)), full((1, D_H)), full((1, D_H)),
            full((D_H, 3 * D_H)), full((1, 3 * D_H)),
            full((D_H, 3 * D_H)), full((1, 3 * D_H)),
            full((1, D_H)), full((1, D_H)),
            full((D_H, 128)), full((1, 128)), full((128, 2)), full((1, 2)),
            full((D_H, 64)), full((1, 64)), full((64, 1)), full((1, 1)),
            full((D_H, 64)), full((1, 64)), full((64, 1)), full((1, 1)),
        ],
        out_specs=[
            blkspec(D_H), blkspec(1), blkspec(1), blkspec(1),
        ],
        out_shape=[
            jax.ShapeDtypeStruct((N_NODES, D_H), jnp.float32),
            jax.ShapeDtypeStruct((N_NODES, 1), jnp.float32),
            jax.ShapeDtypeStruct((N_NODES, 1), jnp.float32),
            jax.ShapeDtypeStruct((N_NODES, 1), jnp.float32),
        ],
    )(num, identity, h_flat, expand,
      row(p['gat_bias']), row(p['norm1_g']), row(p['norm1_b']),
      p['proj_w'], row(p['proj_b']), row(p['norm_gat_g']),
      row(p['norm_gat_b']),
      p['gru_w_ih'], row(p['gru_b_ih']), p['gru_w_hh'], row(p['gru_b_hh']),
      row(p['norm_h_g']), row(p['norm_h_b']),
      p['wh1_w'], row(p['wh1_b']), p['wh2_w'], row(p['wh2_b']),
      p['ap1_w'], row(p['ap1_b']), p['ap2_w'], row(p['ap2_b']),
      p['ad1_w'], row(p['ad1_b']), p['ad2_w'], row(p['ad2_b']))


_EXPAND = np.kron(np.eye(H, dtype=np.float32),
                  np.ones((1, C), np.float32))


def kernel(h, node_feat, r, tri_w, vp_s, edges, edge_attr, params):
    p = params
    B, N, _ = node_feat.shape
    x_flat = jnp.concatenate([node_feat, r, tri_w, vp_s], axis=-1) \
        .reshape(-1, D_IN)
    src = edges[0, 0]
    dst = edges[0, 1]

    w_cat = jnp.concatenate(
        [p['lin_l_w'], p['lin_r_w'], p['res_proj_w']], axis=1)
    b_cat = jnp.concatenate(
        [p['lin_l_b'], p['lin_r_b'], p['res_proj_b']])[None, :]
    xl, xr, identity = _fused_proj(x_flat, w_cat, b_cat)

    gxl, gxr = _sc_gather(xl, xr, src, dst)

    attbd = _EXPAND.T * p['att'].reshape(-1)[:, None]

    w = _edge_payload(gxl, gxr, edge_attr, p['lin_edge_w'], attbd, _EXPAND)

    num = _tc_scatter(w, dst)

    h_flat = h.reshape(-1, D_H)
    hn, conf, ap, ad = _tail(num[:N_NODES], identity, h_flat, _EXPAND, p)

    h_new = hn.reshape(B, N, D_H)
    conf = conf.reshape(B, N, 1)
    a_p = jnp.mean(ap, axis=0, keepdims=True) * 0.1 + 0.0001
    a_d = ad.reshape(B, N, 1)
    return (h_new, conf, a_p, a_d)

# --- scband reference (transcript-rebuilt; emitter-appended) ---
"""Pipeline reference for scband-graph-update-block-87084756894239 (READ-ONLY COPY).

The authoritative reference and input builder live on the scoring server;
editing this copy changes nothing except your own understanding.
"""

import jax, jax.numpy as jnp
import numpy as np

H = 4
C = 64
D_IN = 260
D_H = 256


def _ln(x, g, b):
    mu = jnp.mean(x, axis=-1, keepdims=True)
    var = jnp.var(x, axis=-1, keepdims=True)
    return (x - mu) / jnp.sqrt(var + 1e-5) * g + b


def _silu(x):
    return x * jax.nn.sigmoid(x)


def _gatv2(x, ei, ea, p):
    # GATv2Conv(in=260, out=64, heads=4, edge_dim=3, add_self_loops=False)
    src, dst = ei[0], ei[1]
    N = x.shape[0]
    xl = (x @ p['lin_l_w'] + p['lin_l_b']).reshape(N, H, C)
    xr = (x @ p['lin_r_w'] + p['lin_r_b']).reshape(N, H, C)
    e = (ea @ p['lin_edge_w']).reshape(-1, H, C)
    m = xl[src] + xr[dst] + e
    m = jax.nn.leaky_relu(m, negative_slope=0.2)
    logits = jnp.sum(m * p['att'][None], axis=-1)  # [E, H]
    amax = jax.ops.segment_max(logits, dst, num_segments=N)
    amax = jnp.where(jnp.isfinite(amax), amax, 0.0)
    ex = jnp.exp(logits - amax[dst])
    den = jax.ops.segment_sum(ex, dst, num_segments=N)
    alpha = ex / (den[dst] + 1e-16)
    out = jax.ops.segment_sum(xl[src] * alpha[:, :, None], dst, num_segments=N)
    return out.reshape(N, H * C) + p['gat_bias'], alpha


def _geometric_gat(x_flat, ei, ea, p):
    identity = x_flat @ p['res_proj_w'] + p['res_proj_b']
    out, alpha = _gatv2(x_flat, ei, ea, p)
    out = _ln(out, p['norm1_g'], p['norm1_b'])
    out = _silu(out)
    out = out + identity
    out = out @ p['proj_w'] + p['proj_b']
    return out, alpha


def _forward(h, node_feat, r, tri_w, vp_s, edges, edge_attr, params):
    p = params
    B, N, _ = node_feat.shape
    x_fused = jnp.concatenate([node_feat, r, tri_w, vp_s], axis=-1)  # [B,N,260]
    x_flat = x_fused.reshape(-1, D_IN)
    offs = (jnp.arange(B, dtype=edges.dtype) * N)[:, None, None]
    ec = (edges + offs).transpose(1, 0, 2).reshape(2, -1)
    x_spatial_flat, _alpha = _geometric_gat(x_flat, ec, edge_attr, p)
    x_spatial = _ln(x_spatial_flat, p['norm_gat_g'], p['norm_gat_b'])
    h_flat = h.reshape(-1, D_H)
    # GRUCell
    gi = x_spatial @ p['gru_w_ih'] + p['gru_b_ih']
    gh = h_flat @ p['gru_w_hh'] + p['gru_b_hh']
    rg = jax.nn.sigmoid(gi[:, :D_H] + gh[:, :D_H])
    zg = jax.nn.sigmoid(gi[:, D_H:2 * D_H] + gh[:, D_H:2 * D_H])
    ng = jnp.tanh(gi[:, 2 * D_H:] + rg * gh[:, 2 * D_H:])
    h_new_flat = (1.0 - zg) * ng + zg * h_flat
    h_new = _ln(h_new_flat, p['norm_h_g'], p['norm_h_b']).reshape(B, N, D_H)
    w_raw = _silu(h_new @ p['wh1_w'] + p['wh1_b']) @ p['wh2_w'] + p['wh2_b']
    conf = jax.nn.sigmoid(w_raw[..., 0:1])
    a_p = jax.nn.sigmoid(_silu(h_new @ p['ap1_w'] + p['ap1_b']) @ p['ap2_w'] + p['ap2_b'])
    a_p = jnp.mean(a_p, axis=1) * 0.1 + 0.0001
    a_d = jax.nn.sigmoid(_silu(h_new @ p['ad1_w'] + p['ad1_b']) @ p['ad2_w'] + p['ad2_b']) * 0.1 + 0.0001
    return (h_new, conf, a_p, a_d)


def setup_inputs(seed: int = 0):
    key = jax.random.key(seed)
    ks = jax.random.split(key, 32)
    B, N, E = 1, 10000, 160000

    def _lin(k, din, dout):
        return jax.random.normal(k, (din, dout), jnp.float32) * 0.05

    inp = {}
    inp['h'] = jax.random.normal(ks[0], (B, N, D_H), jnp.float32)
    inp['node_feat'] = jax.random.normal(ks[1], (B, N, 256), jnp.float32)
    inp['r'] = jax.random.normal(ks[2], (B, N, 2), jnp.float32)
    inp['tri_w'] = jax.random.uniform(ks[3], (B, N, 1), jnp.float32)
    inp['vp_s'] = jax.random.uniform(ks[4], (B, N, 1), jnp.float32)
    inp['edges'] = jax.random.randint(ks[5], (B, 2, E), 0, N, jnp.int32)
    inp['edge_attr'] = jax.random.normal(ks[6], (E, 3), jnp.float32)
    p = {}
    p['res_proj_w'] = _lin(ks[7], D_IN, D_H); p['res_proj_b'] = jnp.zeros((D_H,), jnp.float32)
    p['lin_l_w'] = _lin(ks[8], D_IN, D_H); p['lin_l_b'] = jnp.zeros((D_H,), jnp.float32)
    p['lin_r_w'] = _lin(ks[9], D_IN, D_H); p['lin_r_b'] = jnp.zeros((D_H,), jnp.float32)
    p['lin_edge_w'] = _lin(ks[10], 3, D_H)
    p['att'] = jax.random.normal(ks[11], (H, C), jnp.float32) * 0.05
    p['gat_bias'] = jnp.zeros((D_H,), jnp.float32)
    p['norm1_g'] = jnp.ones((D_H,), jnp.float32); p['norm1_b'] = jnp.zeros((D_H,), jnp.float32)
    p['proj_w'] = _lin(ks[12], D_H, 256); p['proj_b'] = jnp.zeros((256,), jnp.float32)
    p['norm_gat_g'] = jnp.ones((D_H,), jnp.float32); p['norm_gat_b'] = jnp.zeros((D_H,), jnp.float32)
    p['gru_w_ih'] = _lin(ks[13], D_H, 3 * D_H); p['gru_b_ih'] = jnp.zeros((3 * D_H,), jnp.float32)
    p['gru_w_hh'] = _lin(ks[14], D_H, 3 * D_H); p['gru_b_hh'] = jnp.zeros((3 * D_H,), jnp.float32)
    p['norm_h_g'] = jnp.ones((D_H,), jnp.float32); p['norm_h_b'] = jnp.zeros((D_H,), jnp.float32)
    p['wh1_w'] = _lin(ks[15], D_H, 128); p['wh1_b'] = jnp.zeros((128,), jnp.float32)
    p['wh2_w'] = _lin(ks[16], 128, 2); p['wh2_b'] = jnp.zeros((2,), jnp.float32)
    p['ap1_w'] = _lin(ks[17], D_H, 64); p['ap1_b'] = jnp.zeros((64,), jnp.float32)
    p['ap2_w'] = _lin(ks[18], 64, 1); p['ap2_b'] = jnp.zeros((1,), jnp.float32)
    p['ad1_w'] = _lin(ks[19], D_H, 64); p['ad1_b'] = jnp.zeros((64,), jnp.float32)
    p['ad2_w'] = _lin(ks[20], 64, 1); p['ad2_b'] = jnp.zeros((1,), jnp.float32)
    inp['params'] = p
    return inp


def reference(h, node_feat, r, tri_w, vp_s, edges, edge_attr, params):
    return _forward(h, node_feat, r, tri_w, vp_s, edges, edge_attr, params)

if __name__ == "__main__":
    import jax
    _d = setup_inputs()
    print(jax.jit(kernel)(*tuple(_d.values())))

</pallas_src>

<mosaic_0001>
#map = affine_map<(d0, d1) -> (0, 0)>
#map1 = affine_map<(d0, d1) -> (0)>
module attributes {stable_mosaic.version = 14 : i64} {
  func.func @_gather_body(%arg0: i32, %arg1: i32, %arg2: memref<10000x256xf32, #tpu.memory_space<hbm>>, %arg3: memref<10000x256xf32, #tpu.memory_space<hbm>>, %arg4: memref<160000xi32, #tpu.memory_space<hbm>>, %arg5: memref<160000xi32, #tpu.memory_space<hbm>>, %arg6: memref<160000x256xf32, #tpu.memory_space<hbm>>, %arg7: memref<160000x256xf32, #tpu.memory_space<hbm>>, %arg8: memref<128xi32, #tpu.memory_space<vmem>>, %arg9: memref<128xi32, #tpu.memory_space<vmem>>, %arg10: memref<8xi32, #tpu.memory_space<vmem>>, %arg11: memref<8xi32, #tpu.memory_space<vmem>>, %arg12: memref<128x256xf32, #tpu.memory_space<vmem>>, %arg13: memref<128x256xf32, #tpu.memory_space<vmem>>, %arg14: memref<!tpu.dma_semaphore, #tpu.memory_space<semaphore_mem>>, %arg15: memref<!tpu.dma_semaphore, #tpu.memory_space<semaphore_mem>>) attributes {dimension_semantics = [#tpu.dimension_semantics<core_parallel>, #tpu.dimension_semantics<subcore_parallel>], iteration_bounds = array<i64: 2, 16>, scalar_prefetch = 0 : i64, scratch_operands = 8 : i64, tpu.core_type = #tpu.core_type<sc_vector_subcore>, window_params = [{transform_indices = #map}, {transform_indices = #map}, {transform_indices = #map1}, {transform_indices = #map1}, {transform_indices = #map}, {transform_indices = #map}]} {
    %mul3A = arith.constant 2 : i32
    %mul3A_0 = arith.muli %arg1, %mul3A : i32
    %add3A = arith.addi %mul3A_0, %arg0 : i32
    %mul3A_1 = arith.constant 5000 : i32
    %mul3A_2 = arith.muli %add3A, %mul3A_1 : i32
    %scan3A = arith.constant 0 : i32
    %scan3A_3 = arith.constant 0 : i32
    %scan3A_4 = arith.constant 39 : i32
    %scan3A_5 = arith.addi %scan3A_3, %scan3A_4 : i32
    %scan3A_6 = arith.constant 1 : i32
    scf.for %scan3A_32 = %scan3A_3 to %scan3A_5 step %scan3A_6  : i32 {
      %mul3A_33 = arith.constant 128 : i32
      %mul3A_34 = arith.muli %scan3A_32, %mul3A_33 : i32
      %add3A_35 = arith.addi %mul3A_2, %mul3A_34 : i32
      "tpu.region"() ({
        %run_scoped3A = tpu.sem_alloc : memref<!tpu.dma_semaphore, #tpu.memory_space<semaphore_mem>>
        %dma_start3A_48 = tpu.memref_slice %arg4[%add3A_35] : memref<160000xi32, #tpu.memory_space<hbm>> -> memref<128xi32, #tpu.memory_space<hbm>>
        %dma_start3A_49 = tpu.memref_slice %arg4[%add3A_35] : memref<160000xi32, #tpu.memory_space<hbm>> -> memref<128xi32, #tpu.memory_space<hbm>>
        tpu.enqueue_dma source(%dma_start3A_49 : memref<128xi32, #tpu.memory_space<hbm>>) target(%arg8 : memref<128xi32, #tpu.memory_space<vmem>>) target_semaphore(%run_scoped3A : memref<!tpu.dma_semaphore, #tpu.memory_space<semaphore_mem>>)
        %dma_wait3A_50 = tpu.memref_slice %arg4[%add3A_35] : memref<160000xi32, #tpu.memory_space<hbm>> -> memref<128xi32, #tpu.memory_space<hbm>>
        %dma_wait3A_51 = tpu.memref_slice %arg4[%add3A_35] : memref<160000xi32, #tpu.memory_space<hbm>> -> memref<128xi32, #tpu.memory_space<hbm>>
        tpu.wait_dma2 semaphore(%run_scoped3A : memref<!tpu.dma_semaphore, #tpu.memory_space<semaphore_mem>>) src(%dma_wait3A_51 : memref<128xi32, #tpu.memory_space<hbm>>) dst(%arg8 : memref<128xi32, #tpu.memory_space<vmem>>)
        tpu.yield
      }) : () -> ()
      "tpu.region"() ({
        %run_scoped3A = tpu.sem_alloc : memref<!tpu.dma_semaphore, #tpu.memory_space<semaphore_mem>>
        %dma_start3A_48 = tpu.memref_slice %arg5[%add3A_35] : memref<160000xi32, #tpu.memory_space<hbm>> -> memref<128xi32, #tpu.memory_space<hbm>>
        %dma_start3A_49 = tpu.memref_slice %arg5[%add3A_35] : memref<160000xi32, #tpu.memory_space<hbm>> -> memref<128xi32, #tpu.memory_space<hbm>>
        tpu.enqueue_dma source(%dma_start3A_49 : memref<128xi32, #tpu.memory_space<hbm>>) target(%arg9 : memref<128xi32, #tpu.memory_space<vmem>>) target_semaphore(%run_scoped3A : memref<!tpu.dma_semaphore, #tpu.memory_space<semaphore_mem>>)
        %dma_wait3A_50 = tpu.memref_slice %arg5[%add3A_35] : memref<160000xi32, #tpu.memory_space<hbm>> -> memref<128xi32, #tpu.memory_space<hbm>>
        %dma_wait3A_51 = tpu.memref_slice %arg5[%add3A_35] : memref<160000xi32, #tpu.memory_space<hbm>> -> memref<128xi32, #tpu.memory_space<hbm>>
        tpu.wait_dma2 semaphore(%run_scoped3A : memref<!tpu.dma_semaphore, #tpu.memory_space<semaphore_mem>>) src(%dma_wait3A_51 : memref<128xi32, #tpu.memory_space<hbm>>) dst(%arg9 : memref<128xi32, #tpu.memory_space<vmem>>)
        tpu.yield
      }) : () -> ()
      %dma_start3A_36 = arith.constant 0 : i32
      %dma_start3A_37 = arith.constant 0 : i32
      %dma_start3A_38 = tpu.memref_slice %arg2[%dma_start3A_36, %dma_start3A_37] : memref<10000x256xf32, #tpu.memory_space<hbm>> -> memref<10000x256xf32, #tpu.memory_space<hbm>>
      tpu.enqueue_indirect_dma source(%dma_start3A_38 : memref<10000x256xf32, #tpu.memory_space<hbm>>) target(%arg12 : memref<128x256xf32, #tpu.memory_space<vmem>>) offsets(%arg8 : memref<128xi32, #tpu.memory_space<vmem>>) semaphore(%arg14 : memref<!tpu.dma_semaphore, #tpu.memory_space<semaphore_mem>>)
      %dma_start3A_39 = arith.constant 0 : i32
      %dma_start3A_40 = arith.constant 0 : i32
      %dma_start3A_41 = tpu.memref_slice %arg3[%dma_start3A_39, %dma_start3A_40] : memref<10000x256xf32, #tpu.memory_space<hbm>> -> memref<10000x256xf32, #tpu.memory_space<hbm>>
      tpu.enqueue_indirect_dma source(%dma_start3A_41 : memref<10000x256xf32, #tpu.memory_space<hbm>>) target(%arg13 : memref<128x256xf32, #tpu.memory_space<vmem>>) offsets(%arg9 : memref<128xi32, #tpu.memory_space<vmem>>) semaphore(%arg15 : memref<!tpu.dma_semaphore, #tpu.memory_space<semaphore_mem>>)
      %dma_wait3A_42 = arith.constant 0 : i32
      %dma_wait3A_43 = arith.constant 0 : i32
      %dma_wait3A_44 = tpu.memref_slice %arg2[%dma_wait3A_42, %dma_wait3A_43] : memref<10000x256xf32, #tpu.memory_space<hbm>> -> memref<10000x256xf32, #tpu.memory_space<hbm>>
      tpu.wait_indirect_dma semaphore(%arg14 : memref<!tpu.dma_semaphore, #tpu.memory_space<semaphore_mem>>) src(%dma_wait3A_44 : memref<10000x256xf32, #tpu.memory_space<hbm>>) dst(%arg12 : memref<128x256xf32, #tpu.memory_space<vmem>>)
      %dma_wait3A_45 = arith.constant 0 : i32
      %dma_wait3A_46 = arith.constant 0 : i32
      %dma_wait3A_47 = tpu.memref_slice %arg3[%dma_wait3A_45, %dma_wait3A_46] : memref<10000x256xf32, #tpu.memory_space<hbm>> -> memref<10000x256xf32, #tpu.memory_space<hbm>>
      tpu.wait_indirect_dma semaphore(%arg15 : memref<!tpu.dma_semaphore, #tpu.memory_space<semaphore_mem>>) src(%dma_wait3A_47 : memref<10000x256xf32, #tpu.memory_space<hbm>>) dst(%arg13 : memref<128x256xf32, #tpu.memory_space<vmem>>)
      "tpu.region"() ({
        %run_scoped3A = tpu.sem_alloc : memref<!tpu.dma_semaphore, #tpu.memory_space<semaphore_mem>>
        %dma_start3A_48 = arith.constant 0 : i32
        %dma_start3A_49 = tpu.memref_slice %arg6[%add3A_35, %dma_start3A_48] : memref<160000x256xf32, #tpu.memory_space<hbm>> -> memref<128x256xf32, #tpu.memory_space<hbm>>
        %dma_start3A_50 = arith.constant 0 : i32
        %dma_start3A_51 = tpu.memref_slice %arg6[%add3A_35, %dma_start3A_50] : memref<160000x256xf32, #tpu.memory_space<hbm>> -> memref<128x256xf32, #tpu.memory_space<hbm>>
        tpu.enqueue_dma source(%arg12 : memref<128x256xf32, #tpu.memory_space<vmem>>) target(%dma_start3A_51 : memref<128x256xf32, #tpu.memory_space<hbm>>) target_semaphore(%run_scoped3A : memref<!tpu.dma_semaphore, #tpu.memory_space<semaphore_mem>>)
        %dma_wait3A_52 = arith.constant 0 : i32
        %dma_wait3A_53 = tpu.memref_slice %arg6[%add3A_35, %dma_wait3A_52] : memref<160000x256xf32, #tpu.memory_space<hbm>> -> memref<128x256xf32, #tpu.memory_space<hbm>>
        %dma_wait3A_54 = arith.constant 0 : i32
        %dma_wait3A_55 = tpu.memref_slice %arg6[%add3A_35, %dma_wait3A_54] : memref<160000x256xf32, #tpu.memory_space<hbm>> -> memref<128x256xf32, #tpu.memory_space<hbm>>
        tpu.wait_dma2 semaphore(%run_scoped3A : memref<!tpu.dma_semaphore, #tpu.memory_space<semaphore_mem>>) src(%arg12 : memref<128x256xf32, #tpu.memory_space<vmem>>) dst(%dma_wait3A_55 : memref<128x256xf32, #tpu.memory_space<hbm>>)
        tpu.yield
      }) : () -> ()
      "tpu.region"() ({
        %run_scoped3A = tpu.sem_alloc : memref<!tpu.dma_semaphore, #tpu.memory_space<semaphore_mem>>
        %dma_start3A_48 = arith.constant 0 : i32
        %dma_start3A_49 = tpu.memref_slice %arg7[%add3A_35, %dma_start3A_48] : memref<160000x256xf32, #tpu.memory_space<hbm>> -> memref<128x256xf32, #tpu.memory_space<hbm>>
        %dma_start3A_50 = arith.constant 0 : i32
        %dma_start3A_51 = tpu.memref_slice %arg7[%add3A_35, %dma_start3A_50] : memref<160000x256xf32, #tpu.memory_space<hbm>> -> memref<128x256xf32, #tpu.memory_space<hbm>>
        tpu.enqueue_dma source(%arg13 : memref<128x256xf32, #tpu.memory_space<vmem>>) target(%dma_start3A_51 : memref<128x256xf32, #tpu.memory_space<hbm>>) target_semaphore(%run_scoped3A : memref<!tpu.dma_semaphore, #tpu.memory_space<semaphore_mem>>)
        %dma_wait3A_52 = arith.constant 0 : i32
        %dma_wait3A_53 = tpu.memref_slice %arg7[%add3A_35, %dma_wait3A_52] : memref<160000x256xf32, #tpu.memory_space<hbm>> -> memref<128x256xf32, #tpu.memory_space<hbm>>
        %dma_wait3A_54 = arith.constant 0 : i32
        %dma_wait3A_55 = tpu.memref_slice %arg7[%add3A_35, %dma_wait3A_54] : memref<160000x256xf32, #tpu.memory_space<hbm>> -> memref<128x256xf32, #tpu.memory_space<hbm>>
        tpu.wait_dma2 semaphore(%run_scoped3A : memref<!tpu.dma_semaphore, #tpu.memory_space<semaphore_mem>>) src(%arg13 : memref<128x256xf32, #tpu.memory_space<vmem>>) dst(%dma_wait3A_55 : memref<128x256xf32, #tpu.memory_space<hbm>>)
        tpu.yield
      }) : () -> ()
    }
    %scan3A_7 = arith.constant 39 : i32
    %add3A_8 = arith.constant 4992 : i32
    %add3A_9 = arith.addi %mul3A_2, %add3A_8 : i32
    "tpu.region"() ({
      %run_scoped3A = tpu.sem_alloc : memref<!tpu.dma_semaphore, #tpu.memory_space<semaphore_mem>>
      %dma_start3A_32 = tpu.memref_slice %arg4[%add3A_9] : memref<160000xi32, #tpu.memory_space<hbm>> -> memref<8xi32, #tpu.memory_space<hbm>>
      %dma_start3A_33 = tpu.memref_slice %arg4[%add3A_9] : memref<160000xi32, #tpu.memory_space<hbm>> -> memref<8xi32, #tpu.memory_space<hbm>>
      tpu.enqueue_dma source(%dma_start3A_33 : memref<8xi32, #tpu.memory_space<hbm>>) target(%arg10 : memref<8xi32, #tpu.memory_space<vmem>>) target_semaphore(%run_scoped3A : memref<!tpu.dma_semaphore, #tpu.memory_space<semaphore_mem>>)
      %dma_wait3A_34 = tpu.memref_slice %arg4[%add3A_9] : memref<160000xi32, #tpu.memory_space<hbm>> -> memref<8xi32, #tpu.memory_space<hbm>>
      %dma_wait3A_35 = tpu.memref_slice %arg4[%add3A_9] : memref<160000xi32, #tpu.memory_space<hbm>> -> memref<8xi32, #tpu.memory_space<hbm>>
      tpu.wait_dma2 semaphore(%run_scoped3A : memref<!tpu.dma_semaphore, #tpu.memory_space<semaphore_mem>>) src(%dma_wait3A_35 : memref<8xi32, #tpu.memory_space<hbm>>) dst(%arg10 : memref<8xi32, #tpu.memory_space<vmem>>)
      tpu.yield
    }) : () -> ()
    "tpu.region"() ({
      %run_scoped3A = tpu.sem_alloc : memref<!tpu.dma_semaphore, #tpu.memory_space<semaphore_mem>>
      %dma_start3A_32 = tpu.memref_slice %arg5[%add3A_9] : memref<160000xi32, #tpu.memory_space<hbm>> -> memref<8xi32, #tpu.memory_space<hbm>>
      %dma_start3A_33 = tpu.memref_slice %arg5[%add3A_9] : memref<160000xi32, #tpu.memory_space<hbm>> -> memref<8xi32, #tpu.memory_space<hbm>>
      tpu.enqueue_dma source(%dma_start3A_33 : memref<8xi32, #tpu.memory_space<hbm>>) target(%arg11 : memref<8xi32, #tpu.memory_space<vmem>>) target_semaphore(%run_scoped3A : memref<!tpu.dma_semaphore, #tpu.memory_space<semaphore_mem>>)
      %dma_wait3A_34 = tpu.memref_slice %arg5[%add3A_9] : memref<160000xi32, #tpu.memory_space<hbm>> -> memref<8xi32, #tpu.memory_space<hbm>>
      %dma_wait3A_35 = tpu.memref_slice %arg5[%add3A_9] : memref<160000xi32, #tpu.memory_space<hbm>> -> memref<8xi32, #tpu.memory_space<hbm>>
      tpu.wait_dma2 semaphore(%run_scoped3A : memref<!tpu.dma_semaphore, #tpu.memory_space<semaphore_mem>>) src(%dma_wait3A_35 : memref<8xi32, #tpu.memory_space<hbm>>) dst(%arg11 : memref<8xi32, #tpu.memory_space<vmem>>)
      tpu.yield
    }) : () -> ()
    %dma_start3A = arith.constant 0 : i32
    %dma_start3A_10 = arith.constant 0 : i32
    %dma_start3A_11 = tpu.memref_slice %arg12[%dma_start3A, %dma_start3A_10] : memref<128x256xf32, #tpu.memory_space<vmem>> -> memref<8x256xf32, #tpu.memory_space<vmem>>
    %dma_start3A_12 = arith.constant 0 : i32
    %dma_start3A_13 = arith.constant 0 : i32
    %dma_start3A_14 = tpu.memref_slice %arg2[%dma_start3A_12, %dma_start3A_13] : memref<10000x256xf32, #tpu.memory_space<hbm>> -> memref<10000x256xf32, #tpu.memory_space<hbm>>
    tpu.enqueue_indirect_dma source(%dma_start3A_14 : memref<10000x256xf32, #tpu.memory_space<hbm>>) target(%dma_start3A_11 : memref<8x256xf32, #tpu.memory_space<vmem>>) offsets(%arg10 : memref<8xi32, #tpu.memory_space<vmem>>) semaphore(%arg14 : memref<!tpu.dma_semaphore, #tpu.memory_space<semaphore_mem>>)
    %dma_start3A_15 = arith.constant 0 : i32
    %dma_start3A_16 = arith.constant 0 : i32
    %dma_start3A_17 = tpu.memref_slice %arg13[%dma_start3A_15, %dma_start3A_16] : memref<128x256xf32, #tpu.memory_space<vmem>> -> memref<8x256xf32, #tpu.memory_space<vmem>>
    %dma_start3A_18 = arith.constant 0 : i32
    %dma_start3A_19 = arith.constant 0 : i32
    %dma_start3A_20 = tpu.memref_slice %arg3[%dma_start3A_18, %dma_start3A_19] : memref<10000x256xf32, #tpu.memory_space<hbm>> -> memref<10000x256xf32, #tpu.memory_space<hbm>>
    tpu.enqueue_indirect_dma source(%dma_start3A_20 : memref<10000x256xf32, #tpu.memory_space<hbm>>) target(%dma_start3A_17 : memref<8x256xf32, #tpu.memory_space<vmem>>) offsets(%arg11 : memref<8xi32, #tpu.memory_space<vmem>>) semaphore(%arg15 : memref<!tpu.dma_semaphore, #tpu.memory_space<semaphore_mem>>)
    %dma_wait3A = arith.constant 0 : i32
    %dma_wait3A_21 = arith.constant 0 : i32
    %dma_wait3A_22 = tpu.memref_slice %arg12[%dma_wait3A, %dma_wait3A_21] : memref<128x256xf32, #tpu.memory_space<vmem>> -> memref<8x256xf32, #tpu.memory_space<vmem>>
    %dma_wait3A_23 = arith.constant 0 : i32
    %dma_wait3A_24 = arith.constant 0 : i32
    %dma_wait3A_25 = tpu.memref_slice %arg2[%dma_wait3A_23, %dma_wait3A_24] : memref<10000x256xf32, #tpu.memory_space<hbm>> -> memref<10000x256xf32, #tpu.memory_space<hbm>>
    tpu.wait_indirect_dma semaphore(%arg14 : memref<!tpu.dma_semaphore, #tpu.memory_space<semaphore_mem>>) src(%dma_wait3A_25 : memref<10000x256xf32, #tpu.memory_space<hbm>>) dst(%dma_wait3A_22 : memref<8x256xf32, #tpu.memory_space<vmem>>)
    %dma_wait3A_26 = arith.constant 0 : i32
    %dma_wait3A_27 = arith.constant 0 : i32
    %dma_wait3A_28 = tpu.memref_slice %arg13[%dma_wait3A_26, %dma_wait3A_27] : memref<128x256xf32, #tpu.memory_space<vmem>> -> memref<8x256xf32, #tpu.memory_space<vmem>>
    %dma_wait3A_29 = arith.constant 0 : i32
    %dma_wait3A_30 = arith.constant 0 : i32
    %dma_wait3A_31 = tpu.memref_slice %arg3[%dma_wait3A_29, %dma_wait3A_30] : memref<10000x256xf32, #tpu.memory_space<hbm>> -> memref<10000x256xf32, #tpu.memory_space<hbm>>
    tpu.wait_indirect_dma semaphore(%arg15 : memref<!tpu.dma_semaphore, #tpu.memory_space<semaphore_mem>>) src(%dma_wait3A_31 : memref<10000x256xf32, #tpu.memory_space<hbm>>) dst(%dma_wait3A_28 : memref<8x256xf32, #tpu.memory_space<vmem>>)
    "tpu.region"() ({
      %run_scoped3A = tpu.sem_alloc : memref<!tpu.dma_semaphore, #tpu.memory_space<semaphore_mem>>
      %dma_start3A_32 = arith.constant 0 : i32
      %dma_start3A_33 = arith.constant 0 : i32
      %dma_start3A_34 = tpu.memref_slice %arg12[%dma_start3A_32, %dma_start3A_33] : memref<128x256xf32, #tpu.memory_space<vmem>> -> memref<8x256xf32, #tpu.memory_space<vmem>>
      %dma_start3A_35 = arith.constant 0 : i32
      %dma_start3A_36 = tpu.memref_slice %arg6[%add3A_9, %dma_start3A_35] : memref<160000x256xf32, #tpu.memory_space<hbm>> -> memref<8x256xf32, #tpu.memory_space<hbm>>
      %dma_start3A_37 = arith.constant 0 : i32
      %dma_start3A_38 = tpu.memref_slice %arg6[%add3A_9, %dma_start3A_37] : memref<160000x256xf32, #tpu.memory_space<hbm>> -> memref<8x256xf32, #tpu.memory_space<hbm>>
      %dma_start3A_39 = arith.constant 0 : i32
      %dma_start3A_40 = arith.constant 0 : i32
      %dma_start3A_41 = tpu.memref_slice %arg12[%dma_start3A_39, %dma_start3A_40] : memref<128x256xf32, #tpu.memory_space<vmem>> -> memref<8x256xf32, #tpu.memory_space<vmem>>
      tpu.enqueue_dma source(%dma_start3A_41 : memref<8x256xf32, #tpu.memory_space<vmem>>) target(%dma_start3A_38 : memref<8x256xf32, #tpu.memory_space<hbm>>) target_semaphore(%run_scoped3A : memref<!tpu.dma_semaphore, #tpu.memory_space<semaphore_mem>>)
      %dma_wait3A_42 = arith.constant 0 : i32
      %dma_wait3A_43 = arith.constant 0 : i32
      %dma_wait3A_44 = tpu.memref_slice %arg12[%dma_wait3A_42, %dma_wait3A_43] : memref<128x256xf32, #tpu.memory_space<vmem>> -> memref<8x256xf32, #tpu.memory_space<vmem>>
      %dma_wait3A_45 = arith.constant 0 : i32
      %dma_wait3A_46 = tpu.memref_slice %arg6[%add3A_9, %dma_wait3A_45] : memref<160000x256xf32, #tpu.memory_space<hbm>> -> memref<8x256xf32, #tpu.memory_space<hbm>>
      %dma_wait3A_47 = arith.constant 0 : i32
      %dma_wait3A_48 = tpu.memref_slice %arg6[%add3A_9, %dma_wait3A_47] : memref<160000x256xf32, #tpu.memory_space<hbm>> -> memref<8x256xf32, #tpu.memory_space<hbm>>
      %dma_wait3A_49 = arith.constant 0 : i32
      %dma_wait3A_50 = arith.constant 0 : i32
      %dma_wait3A_51 = tpu.memref_slice %arg12[%dma_wait3A_49, %dma_wait3A_50] : memref<128x256xf32, #tpu.memory_space<vmem>> -> memref<8x256xf32, #tpu.memory_space<vmem>>
      tpu.wait_dma2 semaphore(%run_scoped3A : memref<!tpu.dma_semaphore, #tpu.memory_space<semaphore_mem>>) src(%dma_wait3A_51 : memref<8x256xf32, #tpu.memory_space<vmem>>) dst(%dma_wait3A_48 : memref<8x256xf32, #tpu.memory_space<hbm>>)
      tpu.yield
    }) : () -> ()
    "tpu.region"() ({
      %run_scoped3A = tpu.sem_alloc : memref<!tpu.dma_semaphore, #tpu.memory_space<semaphore_mem>>
      %dma_start3A_32 = arith.constant 0 : i32
      %dma_start3A_33 = arith.constant 0 : i32
      %dma_start3A_34 = tpu.memref_slice %arg13[%dma_start3A_32, %dma_start3A_33] : memref<128x256xf32, #tpu.memory_space<vmem>> -> memref<8x256xf32, #tpu.memory_space<vmem>>
      %dma_start3A_35 = arith.constant 0 : i32
      %dma_start3A_36 = tpu.memref_slice %arg7[%add3A_9, %dma_start3A_35] : memref<160000x256xf32, #tpu.memory_space<hbm>> -> memref<8x256xf32, #tpu.memory_space<hbm>>
      %dma_start3A_37 = arith.constant 0 : i32
      %dma_start3A_38 = tpu.memref_slice %arg7[%add3A_9, %dma_start3A_37] : memref<160000x256xf32, #tpu.memory_space<hbm>> -> memref<8x256xf32, #tpu.memory_space<hbm>>
      %dma_start3A_39 = arith.constant 0 : i32
      %dma_start3A_40 = arith.constant 0 : i32
      %dma_start3A_41 = tpu.memref_slice %arg13[%dma_start3A_39, %dma_start3A_40] : memref<128x256xf32, #tpu.memory_space<vmem>> -> memref<8x256xf32, #tpu.memory_space<vmem>>
      tpu.enqueue_dma source(%dma_start3A_41 : memref<8x256xf32, #tpu.memory_space<vmem>>) target(%dma_start3A_38 : memref<8x256xf32, #tpu.memory_space<hbm>>) target_semaphore(%run_scoped3A : memref<!tpu.dma_semaphore, #tpu.memory_space<semaphore_mem>>)
      %dma_wait3A_42 = arith.constant 0 : i32
      %dma_wait3A_43 = arith.constant 0 : i32
      %dma_wait3A_44 = tpu.memref_slice %arg13[%dma_wait3A_42, %dma_wait3A_43] : memref<128x256xf32, #tpu.memory_space<vmem>> -> memref<8x256xf32, #tpu.memory_space<vmem>>
      %dma_wait3A_45 = arith.constant 0 : i32
      %dma_wait3A_46 = tpu.memref_slice %arg7[%add3A_9, %dma_wait3A_45] : memref<160000x256xf32, #tpu.memory_space<hbm>> -> memref<8x256xf32, #tpu.memory_space<hbm>>
      %dma_wait3A_47 = arith.constant 0 : i32
      %dma_wait3A_48 = tpu.memref_slice %arg7[%add3A_9, %dma_wait3A_47] : memref<160000x256xf32, #tpu.memory_space<hbm>> -> memref<8x256xf32, #tpu.memory_space<hbm>>
      %dma_wait3A_49 = arith.constant 0 : i32
      %dma_wait3A_50 = arith.constant 0 : i32
      %dma_wait3A_51 = tpu.memref_slice %arg13[%dma_wait3A_49, %dma_wait3A_50] : memref<128x256xf32, #tpu.memory_space<vmem>> -> memref<8x256xf32, #tpu.memory_space<vmem>>
      tpu.wait_dma2 semaphore(%run_scoped3A : memref<!tpu.dma_semaphore, #tpu.memory_space<semaphore_mem>>) src(%dma_wait3A_51 : memref<8x256xf32, #tpu.memory_space<vmem>>) dst(%dma_wait3A_48 : memref<8x256xf32, #tpu.memory_space<hbm>>)
      tpu.yield
    }) : () -> ()
    return
  }
}

module attributes {stable_mosaic.version = 14 : i64} {
  func.func @_proj_body(%arg0: i32, %arg1: memref<400x260xf32, #tpu.memory_space<vmem>>, %arg2: memref<260x768xf32, #tpu.memory_space<vmem>>, %arg3: memref<1x768xf32, #tpu.memory_space<vmem>>, %arg4: memref<400x256xf32, #tpu.memory_space<vmem>>, %arg5: memref<400x256xf32, #tpu.memory_space<vmem>>, %arg6: memref<400x256xf32, #tpu.memory_space<vmem>>) attributes {dimension_semantics = [#tpu.dimension_semantics<arbitrary>], iteration_bounds = array<i64: 25>, scalar_prefetch = 0 : i64, scratch_operands = 0 : i64, tpu.core_type = #tpu.core_type<tc>, window_params = [{transform_indices = @transform_0, window_bounds = array<i64: 400, 260>}, {pipeline_mode = #tpu.pipeline_mode<synchronous>, transform_indices = @transform_1, window_bounds = array<i64: 260, 768>}, {pipeline_mode = #tpu.pipeline_mode<synchronous>, transform_indices = @transform_2, window_bounds = array<i64: 1, 768>}, {transform_indices = @transform_3, window_bounds = array<i64: 400, 256>}, {transform_indices = @transform_4, window_bounds = array<i64: 400, 256>}, {transform_indices = @transform_5, window_bounds = array<i64: 400, 256>}]} {
    %get3A = arith.constant 0 : index
    %get3A_0 = arith.constant 0 : index
    %get3A_1 = vector.load %arg1[%get3A, %get3A_0] : memref<400x260xf32, #tpu.memory_space<vmem>>, vector<400x260xf32>
    %get3A_2 = arith.constant 0 : index
    %get3A_3 = arith.constant 0 : index
    %get3A_4 = vector.load %arg2[%get3A_2, %get3A_3] : memref<260x768xf32, #tpu.memory_space<vmem>>, vector<260x768xf32>
    %dot_general3A = arith.constant dense<0.000000e+00> : vector<400x768xf32>
    %dot_general3A_5 = tpu.matmul %get3A_1, %get3A_4, %dot_general3A {dimension_numbers = #tpu.dot_dimension_numbers<[1], [0], [0], [1], [0, 0, 1, 1], [], []>, transpose_lhs_hint = false} : vector<400x260xf32>, vector<260x768xf32>, vector<400x768xf32> -> vector<400x768xf32>
    %get3A_6 = arith.constant 0 : index
    %get3A_7 = arith.constant 0 : index
    %get3A_8 = vector.load %arg3[%get3A_6, %get3A_7] : memref<1x768xf32, #tpu.memory_space<vmem>>, vector<1x768xf32>
    %add3A = vector.broadcast %get3A_8 : vector<1x768xf32> to vector<400x768xf32>
    %add3A_9 = arith.addf %dot_general3A_5, %add3A : vector<400x768xf32>
    %slice3A = vector.extract_strided_slice %add3A_9 {offsets = [0, 0], sizes = [400, 256], strides = [1, 1]} : vector<400x768xf32> to vector<400x256xf32>
    %swap3A = arith.constant 0 : index
    %swap3A_10 = arith.constant 0 : index
    %swap3A_11 = vector.load %arg4[%swap3A, %swap3A_10] : memref<400x256xf32, #tpu.memory_space<vmem>>, vector<400x256xf32>
    tpu.vector_store %arg4[%swap3A, %swap3A_10], %slice3A {strides = array<i32>} : memref<400x256xf32, #tpu.memory_space<vmem>>, vector<400x256xf32>,
    %slice3A_12 = vector.extract_strided_slice %add3A_9 {offsets = [0, 256], sizes = [400, 256], strides = [1, 1]} : vector<400x768xf32> to vector<400x256xf32>
    %swap3A_13 = arith.constant 0 : index
    %swap3A_14 = arith.constant 0 : index
    %swap3A_15 = vector.load %arg5[%swap3A_13, %swap3A_14] : memref<400x256xf32, #tpu.memory_space<vmem>>, vector<400x256xf32>
    tpu.vector_store %arg5[%swap3A_13, %swap3A_14], %slice3A_12 {strides = array<i32>} : memref<400x256xf32, #tpu.memory_space<vmem>>, vector<400x256xf32>,
    %slice3A_16 = vector.extract_strided_slice %add3A_9 {offsets = [0, 512], sizes = [400, 256], strides = [1, 1]} : vector<400x768xf32> to vector<400x256xf32>
    %swap3A_17 = arith.constant 0 : index
    %swap3A_18 = arith.constant 0 : index
    %swap3A_19 = vector.load %arg6[%swap3A_17, %swap3A_18] : memref<400x256xf32, #tpu.memory_space<vmem>>, vector<400x256xf32>
    tpu.vector_store %arg6[%swap3A_17, %swap3A_18], %slice3A_16 {strides = array<i32>} : memref<400x256xf32, #tpu.memory_space<vmem>>, vector<400x256xf32>,
    return
  }
  func.func @transform_0(%arg0: i32) -> (i32, i32) {
    %c0_i32 = arith.constant 0 : i32
    %c0_i32_0 = arith.constant 0 : i32
    return %arg0, %c0_i32 : i32, i32
  }
  func.func @transform_1(%arg0: i32) -> (i32, i32) {
    %c0_i32 = arith.constant 0 : i32
    %c0_i32_0 = arith.constant 0 : i32
    %c0_i32_1 = arith.constant 0 : i32
    return %c0_i32, %c0_i32_0 : i32, i32
  }
  func.func @transform_2(%arg0: i32) -> (i32, i32) {
    %c0_i32 = arith.constant 0 : i32
    %c0_i32_0 = arith.constant 0 : i32
    %c0_i32_1 = arith.constant 0 : i32
    return %c0_i32, %c0_i32_0 : i32, i32
  }
  func.func @transform_3(%arg0: i32) -> (i32, i32) {
    %c0_i32 = arith.constant 0 : i32
    %c0_i32_0 = arith.constant 0 : i32
    return %arg0, %c0_i32 : i32, i32
  }
  func.func @transform_4(%arg0: i32) -> (i32, i32) {
    %c0_i32 = arith.constant 0 : i32
    %c0_i32_0 = arith.constant 0 : i32
    return %arg0, %c0_i32 : i32, i32
  }
  func.func @transform_5(%arg0: i32) -> (i32, i32) {
    %c0_i32 = arith.constant 0 : i32
    %c0_i32_0 = arith.constant 0 : i32
    return %arg0, %c0_i32 : i32, i32
  }
}

module attributes {stable_mosaic.version = 14 : i64} {
  func.func @_edge_body(%arg0: i32, %arg1: memref<256x256xf32, #tpu.memory_space<vmem>>, %arg2: memref<256x256xf32, #tpu.memory_space<vmem>>, %arg3: memref<256x3xf32, #tpu.memory_space<vmem>>, %arg4: memref<3x256xf32, #tpu.memory_space<vmem>>, %arg5: memref<256x4xf32, #tpu.memory_space<vmem>>, %arg6: memref<4x256xf32, #tpu.memory_space<vmem>>, %arg7: memref<256x384xf32, #tpu.memory_space<vmem>>) attributes {dimension_semantics = [#tpu.dimension_semantics<arbitrary>], iteration_bounds = array<i64: 625>, scalar_prefetch = 0 : i64, scratch_operands = 0 : i64, tpu.core_type = #tpu.core_type<tc>, window_params = [{transform_indices = @transform_0, window_bounds = array<i64: 256, 256>}, {transform_indices = @transform_1, window_bounds = array<i64: 256, 256>}, {transform_indices = @transform_2, window_bounds = array<i64: 256, 3>}, {pipeline_mode = #tpu.pipeline_mode<synchronous>, transform_indices = @transform_3, window_bounds = array<i64: 3, 256>}, {pipeline_mode = #tpu.pipeline_mode<synchronous>, transform_indices = @transform_4, window_bounds = array<i64: 256, 4>}, {pipeline_mode = #tpu.pipeline_mode<synchronous>, transform_indices = @transform_5, window_bounds = array<i64: 4, 256>}, {transform_indices = @transform_6, window_bounds = array<i64: 256, 384>}]} {
    %get3A = arith.constant 0 : index
    %get3A_0 = arith.constant 0 : index
    %get3A_1 = vector.load %arg1[%get3A, %get3A_0] : memref<256x256xf32, #tpu.memory_space<vmem>>, vector<256x256xf32>
    %get3A_2 = arith.constant 0 : index
    %get3A_3 = arith.constant 0 : index
    %get3A_4 = vector.load %arg3[%get3A_2, %get3A_3] : memref<256x3xf32, #tpu.memory_space<vmem>>, vector<256x3xf32>
    %get3A_5 = arith.constant 0 : index
    %get3A_6 = arith.constant 0 : index
    %get3A_7 = vector.load %arg4[%get3A_5, %get3A_6] : memref<3x256xf32, #tpu.memory_space<vmem>>, vector<3x256xf32>
    %dot_general3A = arith.constant dense<0.000000e+00> : vector<256x256xf32>
    %dot_general3A_8 = tpu.matmul %get3A_4, %get3A_7, %dot_general3A {dimension_numbers = #tpu.dot_dimension_numbers<[1], [0], [0], [1], [0, 0, 1, 1], [], []>, transpose_lhs_hint = false} : vector<256x3xf32>, vector<3x256xf32>, vector<256x256xf32> -> vector<256x256xf32>
    %get3A_9 = arith.constant 0 : index
    %get3A_10 = arith.constant 0 : index
    %get3A_11 = vector.load %arg2[%get3A_9, %get3A_10] : memref<256x256xf32, #tpu.memory_space<vmem>>, vector<256x256xf32>
    %add3A = arith.addf %get3A_1, %get3A_11 : vector<256x256xf32>
    %add3A_12 = arith.addf %add3A, %dot_general3A_8 : vector<256x256xf32>
    %ge3A = arith.constant 0.000000e+00 : f32
    %ge3A_13 = vector.broadcast %ge3A : f32 to vector<256x256xf32>
    %ge3A_14 = arith.cmpf oge, %add3A_12, %ge3A_13 : vector<256x256xf32>
    %mul3A = arith.constant 2.000000e-01 : f32
    %mul3A_15 = vector.broadcast %mul3A : f32 to vector<256x256xf32>
    %mul3A_16 = arith.mulf %mul3A_15, %add3A_12 : vector<256x256xf32>
    %select_n3A = arith.select %ge3A_14, %add3A_12, %mul3A_16 : vector<256x256xi1>, vector<256x256xf32>
    %get3A_17 = arith.constant 0 : index
    %get3A_18 = arith.constant 0 : index
    %get3A_19 = vector.load %arg5[%get3A_17, %get3A_18] : memref<256x4xf32, #tpu.memory_space<vmem>>, vector<256x4xf32>
    %dot_general3A_20 = arith.constant dense<0.000000e+00> : vector<256x4xf32>
    %dot_general3A_21 = tpu.matmul %select_n3A, %get3A_19, %dot_general3A_20 {dimension_numbers = #tpu.dot_dimension_numbers<[1], [0], [0], [1], [0, 0, 1, 1], [], []>, transpose_lhs_hint = false} : vector<256x256xf32>, vector<256x4xf32>, vector<256x4xf32> -> vector<256x4xf32>
    %exp3A = math.exp %dot_general3A_21 : vector<256x4xf32>
    %get3A_22 = arith.constant 0 : index
    %get3A_23 = arith.constant 0 : index
    %get3A_24 = vector.load %arg6[%get3A_22, %get3A_23] : memref<4x256xf32, #tpu.memory_space<vmem>>, vector<4x256xf32>
    %dot_general3A_25 = arith.constant dense<0.000000e+00> : vector<256x256xf32>
    %dot_general3A_26 = tpu.matmul %exp3A, %get3A_24, %dot_general3A_25 {dimension_numbers = #tpu.dot_dimension_numbers<[1], [0], [0], [1], [0, 0, 1, 1], [], []>, transpose_lhs_hint = false} : vector<256x4xf32>, vector<4x256xf32>, vector<256x256xf32> -> vector<256x256xf32>
    %mul3A_27 = arith.mulf %get3A_1, %dot_general3A_26 : vector<256x256xf32>
    %broadcast_in_dim3A = arith.constant 0.000000e+00 : f32
    %broadcast_in_dim3A_28 = vector.broadcast %broadcast_in_dim3A : f32 to vector<256x124xf32>
    %concatenate3A = tpu.concatenate %mul3A_27, %exp3A, %broadcast_in_dim3A_28 in 1 : vector<256x256xf32>, vector<256x4xf32>, vector<256x124xf32> -> vector<256x384xf32>
    %swap3A = arith.constant 0 : index
    %swap3A_29 = arith.constant 0 : index
    %swap3A_30 = vector.load %arg7[%swap3A, %swap3A_29] : memref<256x384xf32, #tpu.memory_space<vmem>>, vector<256x384xf32>
    tpu.vector_store %arg7[%swap3A, %swap3A_29], %concatenate3A {strides = array<i32>} : memref<256x384xf32, #tpu.memory_space<vmem>>, vector<256x384xf32>,
    return
  }
  func.func @transform_0(%arg0: i32) -> (i32, i32) {
    %c0_i32 = arith.constant 0 : i32
    %c0_i32_0 = arith.constant 0 : i32
    return %arg0, %c0_i32 : i32, i32
  }
  func.func @transform_1(%arg0: i32) -> (i32, i32) {
    %c0_i32 = arith.constant 0 : i32
    %c0_i32_0 = arith.constant 0 : i32
    return %arg0, %c0_i32 : i32, i32
  }
  func.func @transform_2(%arg0: i32) -> (i32, i32) {
    %c0_i32 = arith.constant 0 : i32
    %c0_i32_0 = arith.constant 0 : i32
    return %arg0, %c0_i32 : i32, i32
  }
  func.func @transform_3(%arg0: i32) -> (i32, i32) {
    %c0_i32 = arith.constant 0 : i32
    %c0_i32_0 = arith.constant 0 : i32
    %c0_i32_1 = arith.constant 0 : i32
    return %c0_i32, %c0_i32_0 : i32, i32
  }
  func.func @transform_4(%arg0: i32) -> (i32, i32) {
    %c0_i32 = arith.constant 0 : i32
    %c0_i32_0 = arith.constant 0 : i32
    %c0_i32_1 = arith.constant 0 : i32
    return %c0_i32, %c0_i32_0 : i32, i32
  }
  func.func @transform_5(%arg0: i32) -> (i32, i32) {
    %c0_i32 = arith.constant 0 : i32
    %c0_i32_0 = arith.constant 0 : i32
    %c0_i32_1 = arith.constant 0 : i32
    return %c0_i32, %c0_i32_0 : i32, i32
  }
  func.func @transform_6(%arg0: i32) -> (i32, i32) {
    %c0_i32 = arith.constant 0 : i32
    %c0_i32_0 = arith.constant 0 : i32
    return %arg0, %c0_i32 : i32, i32
  }
}

module attributes {stable_mosaic.version = 14 : i64} {
  func.func @_tc_scatter_body(%arg0: i32, %arg1: memref<256xi32, #tpu.memory_space<smem>>, %arg2: memref<256x384xf32, #tpu.memory_space<vmem>>, %arg3: memref<10240x384xf32, #tpu.memory_space<vmem>>) attributes {dimension_semantics = [#tpu.dimension_semantics<arbitrary>], iteration_bounds = array<i64: 625>, scalar_prefetch = 0 : i64, scratch_operands = 0 : i64, tpu.core_type = #tpu.core_type<tc>, window_params = [{transform_indices = @transform_0, window_bounds = array<i64: 256>}, {transform_indices = @transform_1, window_bounds = array<i64: 256, 384>}, {pipeline_mode = #tpu.pipeline_mode<synchronous>, transform_indices = @transform_2, window_bounds = array<i64: 10240, 384>}]} {
    %eq3A = arith.constant 0 : i32
    %eq3A_0 = arith.cmpi eq, %arg0, %eq3A : i32
    %convert_element_type3A = arith.extui %eq3A_0 : i1 to i32
    %cond3A = arith.constant 0 : i32
    %cond3A_1 = arith.cmpi ne, %convert_element_type3A, %cond3A : i32
    scf.if %cond3A_1 {
      %broadcast_in_dim3A = arith.constant 0.000000e+00 : f32
      %broadcast_in_dim3A_6 = vector.broadcast %broadcast_in_dim3A : f32 to vector<10240x384xf32>
      %swap3A = arith.constant 0 : index
      %swap3A_7 = arith.constant 0 : index
      %swap3A_8 = vector.load %arg3[%swap3A, %swap3A_7] : memref<10240x384xf32, #tpu.memory_space<vmem>>, vector<10240x384xf32>
      tpu.vector_store %arg3[%swap3A, %swap3A_7], %broadcast_in_dim3A_6 {strides = array<i32>} : memref<10240x384xf32, #tpu.memory_space<vmem>>, vector<10240x384xf32>,
    } else {
    }
    %scan3A = arith.constant 0 : i32
    %scan3A_2 = arith.constant 256 : i32
    %scan3A_3 = arith.addi %scan3A, %scan3A_2 : i32
    %scan3A_4 = arith.constant 1 : i32
    scf.for %scan3A_6 = %scan3A to %scan3A_3 step %scan3A_4  : i32 {
      %get3A = arith.index_cast %scan3A_6 : i32 to index
      %get3A_7 = memref.load %arg1[%get3A] : memref<256xi32, #tpu.memory_space<smem>>
      %get3A_8 = arith.index_cast %get3A_7 : i32 to index
      %get3A_9 = arith.constant 0 : index
      %get3A_10 = vector.load %arg3[%get3A_8, %get3A_9] : memref<10240x384xf32, #tpu.memory_space<vmem>>, vector<1x384xf32>
      %get3A_11 = arith.index_cast %scan3A_6 : i32 to index
      %get3A_12 = arith.constant 0 : index
      %get3A_13 = vector.load %arg2[%get3A_11, %get3A_12] : memref<256x384xf32, #tpu.memory_space<vmem>>, vector<1x384xf32>
      %add3A = arith.addf %get3A_10, %get3A_13 : vector<1x384xf32>
      %swap3A = arith.index_cast %get3A_7 : i32 to index
      %swap3A_14 = arith.constant 0 : index
      %swap3A_15 = vector.load %arg3[%swap3A, %swap3A_14] : memref<10240x384xf32, #tpu.memory_space<vmem>>, vector<1x384xf32>
      tpu.vector_store %arg3[%swap3A, %swap3A_14], %add3A {strides = array<i32>} : memref<10240x384xf32, #tpu.memory_space<vmem>>, vector<1x384xf32>,
    }
    %scan3A_5 = arith.constant 256 : i32
    return
  }
  func.func @transform_0(%arg0: i32) -> i32 {
    %c0_i32 = arith.constant 0 : i32
    return %arg0 : i32
  }
  func.func @transform_1(%arg0: i32) -> (i32, i32) {
    %c0_i32 = arith.constant 0 : i32
    %c0_i32_0 = arith.constant 0 : i32
    return %arg0, %c0_i32 : i32, i32
  }
  func.func @transform_2(%arg0: i32) -> (i32, i32) {
    %c0_i32 = arith.constant 0 : i32
    %c0_i32_0 = arith.constant 0 : i32
    %c0_i32_1 = arith.constant 0 : i32
    return %c0_i32, %c0_i32_0 : i32, i32
  }
}

module attributes {stable_mosaic.version = 14 : i64} {
  func.func @_tail_body(%arg0: i32, %arg1: memref<400x384xf32, #tpu.memory_space<vmem>>, %arg2: memref<400x256xf32, #tpu.memory_space<vmem>>, %arg3: memref<400x256xf32, #tpu.memory_space<vmem>>, %arg4: memref<4x256xf32, #tpu.memory_space<vmem>>, %arg5: memref<1x256xf32, #tpu.memory_space<vmem>>, %arg6: memref<1x256xf32, #tpu.memory_space<vmem>>, %arg7: memref<1x256xf32, #tpu.memory_space<vmem>>, %arg8: memref<256x256xf32, #tpu.memory_space<vmem>>, %arg9: memref<1x256xf32, #tpu.memory_space<vmem>>, %arg10: memref<1x256xf32, #tpu.memory_space<vmem>>, %arg11: memref<1x256xf32, #tpu.memory_space<vmem>>, %arg12: memref<256x768xf32, #tpu.memory_space<vmem>>, %arg13: memref<1x768xf32, #tpu.memory_space<vmem>>, %arg14: memref<256x768xf32, #tpu.memory_space<vmem>>, %arg15: memref<1x768xf32, #tpu.memory_space<vmem>>, %arg16: memref<1x256xf32, #tpu.memory_space<vmem>>, %arg17: memref<1x256xf32, #tpu.memory_space<vmem>>, %arg18: memref<256x128xf32, #tpu.memory_space<vmem>>, %arg19: memref<1x128xf32, #tpu.memory_space<vmem>>, %arg20: memref<128x2xf32, #tpu.memory_space<vmem>>, %arg21: memref<1x2xf32, #tpu.memory_space<vmem>>, %arg22: memref<256x64xf32, #tpu.memory_space<vmem>>, %arg23: memref<1x64xf32, #tpu.memory_space<vmem>>, %arg24: memref<64x1xf32, #tpu.memory_space<vmem>>, %arg25: memref<1x1xf32, #tpu.memory_space<vmem>>, %arg26: memref<256x64xf32, #tpu.memory_space<vmem>>, %arg27: memref<1x64xf32, #tpu.memory_space<vmem>>, %arg28: memref<64x1xf32, #tpu.memory_space<vmem>>, %arg29: memref<1x1xf32, #tpu.memory_space<vmem>>, %arg30: memref<400x256xf32, #tpu.memory_space<vmem>>, %arg31: memref<400x1xf32, #tpu.memory_space<vmem>>, %arg32: memref<400x1xf32, #tpu.memory_space<vmem>>, %arg33: memref<400x1xf32, #tpu.memory_space<vmem>>) attributes {dimension_semantics = [#tpu.dimension_semantics<arbitrary>], iteration_bounds = array<i64: 25>, scalar_prefetch = 0 : i64, scratch_operands = 0 : i64, tpu.core_type = #tpu.core_type<tc>, window_params = [{transform_indices = @transform_0, window_bounds = array<i64: 400, 384>}, {transform_indices = @transform_1, window_bounds = array<i64: 400, 256>}, {transform_indices = @transform_2, window_bounds = array<i64: 400, 256>}, {pipeline_mode = #tpu.pipeline_mode<synchronous>, transform_indices = @transform_3, window_bounds = array<i64: 4, 256>}, {pipeline_mode = #tpu.pipeline_mode<synchronous>, transform_indices = @transform_4, window_bounds = array<i64: 1, 256>}, {pipeline_mode = #tpu.pipeline_mode<synchronous>, transform_indices = @transform_5, window_bounds = array<i64: 1, 256>}, {pipeline_mode = #tpu.pipeline_mode<synchronous>, transform_indices = @transform_6, window_bounds = array<i64: 1, 256>}, {pipeline_mode = #tpu.pipeline_mode<synchronous>, transform_indices = @transform_7, window_bounds = array<i64: 256, 256>}, {pipeline_mode = #tpu.pipeline_mode<synchronous>, transform_indices = @transform_8, window_bounds = array<i64: 1, 256>}, {pipeline_mode = #tpu.pipeline_mode<synchronous>, transform_indices = @transform_9, window_bounds = array<i64: 1, 256>}, {pipeline_mode = #tpu.pipeline_mode<synchronous>, transform_indices = @transform_10, window_bounds = array<i64: 1, 256>}, {pipeline_mode = #tpu.pipeline_mode<synchronous>, transform_indices = @transform_11, window_bounds = array<i64: 256, 768>}, {pipeline_mode = #tpu.pipeline_mode<synchronous>, transform_indices = @transform_12, window_bounds = array<i64: 1, 768>}, {pipeline_mode = #tpu.pipeline_mode<synchronous>, transform_indices = @transform_13, window_bounds = array<i64: 256, 768>}, {pipeline_mode = #tpu.pipeline_mode<synchronous>, transform_indices = @transform_14, window_bounds = array<i64: 1, 768>}, {pipeline_mode = #tpu.pipeline_mode<synchronous>, transform_indices = @transform_15, window_bounds = array<i64: 1, 256>}, {pipeline_mode = #tpu.pipeline_mode<synchronous>, transform_indices = @transform_16, window_bounds = array<i64: 1, 256>}, {pipeline_mode = #tpu.pipeline_mode<synchronous>, transform_indices = @transform_17, window_bounds = array<i64: 256, 128>}, {pipeline_mode = #tpu.pipeline_mode<synchronous>, transform_indices = @transform_18, window_bounds = array<i64: 1, 128>}, {pipeline_mode = #tpu.pipeline_mode<synchronous>, transform_indices = @transform_19, window_bounds = array<i64: 128, 2>}, {pipeline_mode = #tpu.pipeline_mode<synchronous>, transform_indices = @transform_20, window_bounds = array<i64: 1, 2>}, {pipeline_mode = #tpu.pipeline_mode<synchronous>, transform_indices = @transform_21, window_bounds = array<i64: 256, 64>}, {pipeline_mode = #tpu.pipeline_mode<synchronous>, transform_indices = @transform_22, window_bounds = array<i64: 1, 64>}, {pipeline_mode = #tpu.pipeline_mode<synchronous>, transform_indices = @transform_23, window_bounds = array<i64: 64, 1>}, {pipeline_mode = #tpu.pipeline_mode<synchronous>, transform_indices = @transform_24, window_bounds = array<i64: 1, 1>}, {pipeline_mode = #tpu.pipeline_mode<synchronous>, transform_indices = @transform_25, window_bounds = array<i64: 256, 64>}, {pipeline_mode = #tpu.pipeline_mode<synchronous>, transform_indices = @transform_26, window_bounds = array<i64: 1, 64>}, {pipeline_mode = #tpu.pipeline_mode<synchronous>, transform_indices = @transform_27, window_bounds = array<i64: 64, 1>}, {pipeline_mode = #tpu.pipeline_mode<synchronous>, transform_indices = @transform_28, window_bounds = array<i64: 1, 1>}, {transform_indices = @transform_29, window_bounds = array<i64: 400, 256>}, {transform_indices = @transform_30, window_bounds = array<i64: 400, 1>}, {transform_indices = @transform_31, window_bounds = array<i64: 400, 1>}, {transform_indices = @transform_32, window_bounds = array<i64: 400, 1>}]} {
    %get3A = arith.constant 0 : index
    %get3A_0 = arith.constant 0 : index
    %get3A_1 = vector.load %arg1[%get3A, %get3A_0] : memref<400x384xf32, #tpu.memory_space<vmem>>, vector<400x384xf32>
    %slice3A = vector.extract_strided_slice %get3A_1 {offsets = [0, 0], sizes = [400, 256], strides = [1, 1]} : vector<400x384xf32> to vector<400x256xf32>
    %slice3A_2 = vector.extract_strided_slice %get3A_1 {offsets = [0, 256], sizes = [400, 4], strides = [1, 1]} : vector<400x384xf32> to vector<400x4xf32>
    %get3A_3 = arith.constant 0 : index
    %get3A_4 = arith.constant 0 : index
    %get3A_5 = vector.load %arg4[%get3A_3, %get3A_4] : memref<4x256xf32, #tpu.memory_space<vmem>>, vector<4x256xf32>
    %dot_general3A = arith.constant dense<0.000000e+00> : vector<400x256xf32>
    %dot_general3A_6 = tpu.matmul %slice3A_2, %get3A_5, %dot_general3A {dimension_numbers = #tpu.dot_dimension_numbers<[1], [0], [0], [1], [0, 0, 1, 1], [], []>, transpose_lhs_hint = false} : vector<400x4xf32>, vector<4x256xf32>, vector<400x256xf32> -> vector<400x256xf32>
    %add3A = arith.constant 1.000000e-16 : f32
    %add3A_7 = vector.broadcast %add3A : f32 to vector<400x256xf32>
    %add3A_8 = arith.addf %dot_general3A_6, %add3A_7 : vector<400x256xf32>
    %div3A = arith.divf %slice3A, %add3A_8 : vector<400x256xf32>
    %get3A_9 = arith.constant 0 : index
    %get3A_10 = arith.constant 0 : index
    %get3A_11 = vector.load %arg5[%get3A_9, %get3A_10] : memref<1x256xf32, #tpu.memory_space<vmem>>, vector<1x256xf32>
    %add3A_12 = vector.broadcast %get3A_11 : vector<1x256xf32> to vector<400x256xf32>
    %add3A_13 = arith.addf %div3A, %add3A_12 : vector<400x256xf32>
    %get3A_14 = arith.constant 0 : index
    %get3A_15 = arith.constant 0 : index
    %get3A_16 = vector.load %arg6[%get3A_14, %get3A_15] : memref<1x256xf32, #tpu.memory_space<vmem>>, vector<1x256xf32>
    %get3A_17 = arith.constant 0 : index
    %get3A_18 = arith.constant 0 : index
    %get3A_19 = vector.load %arg7[%get3A_17, %get3A_18] : memref<1x256xf32, #tpu.memory_space<vmem>>, vector<1x256xf32>
    %reduce_sum3A = arith.constant dense<0.000000e+00> : vector<400xf32>
    %reduce_sum3A_20 = vector.multi_reduction <add>, %add3A_13, %reduce_sum3A [1] : vector<400x256xf32> to vector<400xf32>
    %broadcast_in_dim3A = vector.shape_cast %reduce_sum3A_20 : vector<400xf32> to vector<400x1xf32>
    %div3A_21 = arith.constant 2.560000e+02 : f32
    %div3A_22 = vector.broadcast %div3A_21 : f32 to vector<400x1xf32>
    %div3A_23 = arith.divf %broadcast_in_dim3A, %div3A_22 : vector<400x1xf32>
    %jit3A = arith.constant 0 : i32
    %reduce_sum3A_24 = arith.constant dense<0.000000e+00> : vector<400xf32>
    %reduce_sum3A_25 = vector.multi_reduction <add>, %add3A_13, %reduce_sum3A_24 [1] : vector<400x256xf32> to vector<400xf32>
    %broadcast_in_dim3A_26 = vector.shape_cast %reduce_sum3A_25 : vector<400xf32> to vector<400x1xf32>
    %div3A_27 = arith.constant 2.560000e+02 : f32
    %div3A_28 = vector.broadcast %div3A_27 : f32 to vector<400x1xf32>
    %div3A_29 = arith.divf %broadcast_in_dim3A_26, %div3A_28 : vector<400x1xf32>
    %sub3A = vector.broadcast %div3A_29 : vector<400x1xf32> to vector<400x256xf32>
    %sub3A_30 = arith.subf %add3A_13, %sub3A : vector<400x256xf32>
    %square3A = arith.mulf %sub3A_30, %sub3A_30 : vector<400x256xf32>
    %convert_element_type3A = arith.sitofp %jit3A : i32 to f32
    %sub3A_31 = arith.constant 2.560000e+02 : f32
    %sub3A_32 = arith.subf %sub3A_31, %convert_element_type3A : f32
    %reduce_sum3A_33 = arith.constant dense<0.000000e+00> : vector<400xf32>
    %reduce_sum3A_34 = vector.multi_reduction <add>, %square3A, %reduce_sum3A_33 [1] : vector<400x256xf32> to vector<400xf32>
    %broadcast_in_dim3A_35 = vector.shape_cast %reduce_sum3A_34 : vector<400xf32> to vector<400x1xf32>
    %div3A_36 = vector.broadcast %sub3A_32 : f32 to vector<400x1xf32>
    %div3A_37 = arith.divf %broadcast_in_dim3A_35, %div3A_36 : vector<400x1xf32>
    %gt3A = arith.constant 0.000000e+00 : f32
    %gt3A_38 = arith.cmpf ogt, %sub3A_32, %gt3A : f32
    %jit3A_39 = arith.constant 0x7FC00000 : f32
    %broadcast_in_dim3A_40 = vector.broadcast %jit3A_39 : f32 to vector<400x1xf32>
    %select_n3A = arith.select %gt3A_38, %div3A_37, %broadcast_in_dim3A_40 : vector<400x1xf32>
    %sub3A_41 = vector.broadcast %div3A_23 : vector<400x1xf32> to vector<400x256xf32>
    %sub3A_42 = arith.subf %add3A_13, %sub3A_41 : vector<400x256xf32>
    %add3A_43 = arith.constant 9.99999974E-6 : f32
    %add3A_44 = vector.broadcast %add3A_43 : f32 to vector<400x1xf32>
    %add3A_45 = arith.addf %select_n3A, %add3A_44 : vector<400x1xf32>
    %sqrt3A = math.sqrt %add3A_45 : vector<400x1xf32>
    %div3A_46 = vector.broadcast %sqrt3A : vector<400x1xf32> to vector<400x256xf32>
    %div3A_47 = arith.divf %sub3A_42, %div3A_46 : vector<400x256xf32>
    %mul3A = vector.broadcast %get3A_16 : vector<1x256xf32> to vector<400x256xf32>
    %mul3A_48 = arith.mulf %div3A_47, %mul3A : vector<400x256xf32>
    %add3A_49 = vector.broadcast %get3A_19 : vector<1x256xf32> to vector<400x256xf32>
    %add3A_50 = arith.addf %mul3A_48, %add3A_49 : vector<400x256xf32>
    %logistic3A = arith.negf %add3A_50 : vector<400x256xf32>
    %logistic3A_51 = math.exp %logistic3A : vector<400x256xf32>
    %logistic3A_52 = arith.constant 1.000000e+00 : f32
    %logistic3A_53 = vector.broadcast %logistic3A_52 : f32 to vector<400x256xf32>
    %logistic3A_54 = arith.addf %logistic3A_53, %logistic3A_51 : vector<400x256xf32>
    %logistic3A_55 = arith.divf %logistic3A_53, %logistic3A_54 : vector<400x256xf32>
    %mul3A_56 = arith.mulf %add3A_50, %logistic3A_55 : vector<400x256xf32>
    %get3A_57 = arith.constant 0 : index
    %get3A_58 = arith.constant 0 : index
    %get3A_59 = vector.load %arg2[%get3A_57, %get3A_58] : memref<400x256xf32, #tpu.memory_space<vmem>>, vector<400x256xf32>
    %add3A_60 = arith.addf %mul3A_56, %get3A_59 : vector<400x256xf32>
    %get3A_61 = arith.constant 0 : index
    %get3A_62 = arith.constant 0 : index
    %get3A_63 = vector.load %arg8[%get3A_61, %get3A_62] : memref<256x256xf32, #tpu.memory_space<vmem>>, vector<256x256xf32>
    %dot_general3A_64 = arith.constant dense<0.000000e+00> : vector<400x256xf32>
    %dot_general3A_65 = tpu.matmul %add3A_60, %get3A_63, %dot_general3A_64 {dimension_numbers = #tpu.dot_dimension_numbers<[1], [0], [0], [1], [0, 0, 1, 1], [], []>, transpose_lhs_hint = false} : vector<400x256xf32>, vector<256x256xf32>, vector<400x256xf32> -> vector<400x256xf32>
    %get3A_66 = arith.constant 0 : index
    %get3A_67 = arith.constant 0 : index
    %get3A_68 = vector.load %arg9[%get3A_66, %get3A_67] : memref<1x256xf32, #tpu.memory_space<vmem>>, vector<1x256xf32>
    %add3A_69 = vector.broadcast %get3A_68 : vector<1x256xf32> to vector<400x256xf32>
    %add3A_70 = arith.addf %dot_general3A_65, %add3A_69 : vector<400x256xf32>
    %get3A_71 = arith.constant 0 : index
    %get3A_72 = arith.constant 0 : index
    %get3A_73 = vector.load %arg10[%get3A_71, %get3A_72] : memref<1x256xf32, #tpu.memory_space<vmem>>, vector<1x256xf32>
    %get3A_74 = arith.constant 0 : index
    %get3A_75 = arith.constant 0 : index
    %get3A_76 = vector.load %arg11[%get3A_74, %get3A_75] : memref<1x256xf32, #tpu.memory_space<vmem>>, vector<1x256xf32>
    %reduce_sum3A_77 = arith.constant dense<0.000000e+00> : vector<400xf32>
    %reduce_sum3A_78 = vector.multi_reduction <add>, %add3A_70, %reduce_sum3A_77 [1] : vector<400x256xf32> to vector<400xf32>
    %broadcast_in_dim3A_79 = vector.shape_cast %reduce_sum3A_78 : vector<400xf32> to vector<400x1xf32>
    %div3A_80 = arith.constant 2.560000e+02 : f32
    %div3A_81 = vector.broadcast %div3A_80 : f32 to vector<400x1xf32>
    %div3A_82 = arith.divf %broadcast_in_dim3A_79, %div3A_81 : vector<400x1xf32>
    %jit3A_83 = arith.constant 0 : i32
    %reduce_sum3A_84 = arith.constant dense<0.000000e+00> : vector<400xf32>
    %reduce_sum3A_85 = vector.multi_reduction <add>, %add3A_70, %reduce_sum3A_84 [1] : vector<400x256xf32> to vector<400xf32>
    %broadcast_in_dim3A_86 = vector.shape_cast %reduce_sum3A_85 : vector<400xf32> to vector<400x1xf32>
    %div3A_87 = arith.constant 2.560000e+02 : f32
    %div3A_88 = vector.broadcast %div3A_87 : f32 to vector<400x1xf32>
    %div3A_89 = arith.divf %broadcast_in_dim3A_86, %div3A_88 : vector<400x1xf32>
    %sub3A_90 = vector.broadcast %div3A_89 : vector<400x1xf32> to vector<400x256xf32>
    %sub3A_91 = arith.subf %add3A_70, %sub3A_90 : vector<400x256xf32>
    %square3A_92 = arith.mulf %sub3A_91, %sub3A_91 : vector<400x256xf32>
    %convert_element_type3A_93 = arith.sitofp %jit3A_83 : i32 to f32
    %sub3A_94 = arith.constant 2.560000e+02 : f32
    %sub3A_95 = arith.subf %sub3A_94, %convert_element_type3A_93 : f32
    %reduce_sum3A_96 = arith.constant dense<0.000000e+00> : vector<400xf32>
    %reduce_sum3A_97 = vector.multi_reduction <add>, %square3A_92, %reduce_sum3A_96 [1] : vector<400x256xf32> to vector<400xf32>
    %broadcast_in_dim3A_98 = vector.shape_cast %reduce_sum3A_97 : vector<400xf32> to vector<400x1xf32>
    %div3A_99 = vector.broadcast %sub3A_95 : f32 to vector<400x1xf32>
    %div3A_100 = arith.divf %broadcast_in_dim3A_98, %div3A_99 : vector<400x1xf32>
    %gt3A_101 = arith.constant 0.000000e+00 : f32
    %gt3A_102 = arith.cmpf ogt, %sub3A_95, %gt3A_101 : f32
    %jit3A_103 = arith.constant 0x7FC00000 : f32
    %broadcast_in_dim3A_104 = vector.broadcast %jit3A_103 : f32 to vector<400x1xf32>
    %select_n3A_105 = arith.select %gt3A_102, %div3A_100, %broadcast_in_dim3A_104 : vector<400x1xf32>
    %sub3A_106 = vector.broadcast %div3A_82 : vector<400x1xf32> to vector<400x256xf32>
    %sub3A_107 = arith.subf %add3A_70, %sub3A_106 : vector<400x256xf32>
    %add3A_108 = arith.constant 9.99999974E-6 : f32
    %add3A_109 = vector.broadcast %add3A_108 : f32 to vector<400x1xf32>
    %add3A_110 = arith.addf %select_n3A_105, %add3A_109 : vector<400x1xf32>
    %sqrt3A_111 = math.sqrt %add3A_110 : vector<400x1xf32>
    %div3A_112 = vector.broadcast %sqrt3A_111 : vector<400x1xf32> to vector<400x256xf32>
    %div3A_113 = arith.divf %sub3A_107, %div3A_112 : vector<400x256xf32>
    %mul3A_114 = vector.broadcast %get3A_73 : vector<1x256xf32> to vector<400x256xf32>
    %mul3A_115 = arith.mulf %div3A_113, %mul3A_114 : vector<400x256xf32>
    %add3A_116 = vector.broadcast %get3A_76 : vector<1x256xf32> to vector<400x256xf32>
    %add3A_117 = arith.addf %mul3A_115, %add3A_116 : vector<400x256xf32>
    %get3A_118 = arith.constant 0 : index
    %get3A_119 = arith.constant 0 : index
    %get3A_120 = vector.load %arg3[%get3A_118, %get3A_119] : memref<400x256xf32, #tpu.memory_space<vmem>>, vector<400x256xf32>
    %get3A_121 = arith.constant 0 : index
    %get3A_122 = arith.constant 0 : index
    %get3A_123 = vector.load %arg12[%get3A_121, %get3A_122] : memref<256x768xf32, #tpu.memory_space<vmem>>, vector<256x768xf32>
    %dot_general3A_124 = arith.constant dense<0.000000e+00> : vector<400x768xf32>
    %dot_general3A_125 = tpu.matmul %add3A_117, %get3A_123, %dot_general3A_124 {dimension_numbers = #tpu.dot_dimension_numbers<[1], [0], [0], [1], [0, 0, 1, 1], [], []>, transpose_lhs_hint = false} : vector<400x256xf32>, vector<256x768xf32>, vector<400x768xf32> -> vector<400x768xf32>
    %get3A_126 = arith.constant 0 : index
    %get3A_127 = arith.constant 0 : index
    %get3A_128 = vector.load %arg13[%get3A_126, %get3A_127] : memref<1x768xf32, #tpu.memory_space<vmem>>, vector<1x768xf32>
    %add3A_129 = vector.broadcast %get3A_128 : vector<1x768xf32> to vector<400x768xf32>
    %add3A_130 = arith.addf %dot_general3A_125, %add3A_129 : vector<400x768xf32>
    %get3A_131 = arith.constant 0 : index
    %get3A_132 = arith.constant 0 : index
    %get3A_133 = vector.load %arg14[%get3A_131, %get3A_132] : memref<256x768xf32, #tpu.memory_space<vmem>>, vector<256x768xf32>
    %dot_general3A_134 = arith.constant dense<0.000000e+00> : vector<400x768xf32>
    %dot_general3A_135 = tpu.matmul %get3A_120, %get3A_133, %dot_general3A_134 {dimension_numbers = #tpu.dot_dimension_numbers<[1], [0], [0], [1], [0, 0, 1, 1], [], []>, transpose_lhs_hint = false} : vector<400x256xf32>, vector<256x768xf32>, vector<400x768xf32> -> vector<400x768xf32>
    %get3A_136 = arith.constant 0 : index
    %get3A_137 = arith.constant 0 : index
    %get3A_138 = vector.load %arg15[%get3A_136, %get3A_137] : memref<1x768xf32, #tpu.memory_space<vmem>>, vector<1x768xf32>
    %add3A_139 = vector.broadcast %get3A_138 : vector<1x768xf32> to vector<400x768xf32>
    %add3A_140 = arith.addf %dot_general3A_135, %add3A_139 : vector<400x768xf32>
    %slice3A_141 = vector.extract_strided_slice %add3A_130 {offsets = [0, 0], sizes = [400, 256], strides = [1, 1]} : vector<400x768xf32> to vector<400x256xf32>
    %slice3A_142 = vector.extract_strided_slice %add3A_140 {offsets = [0, 0], sizes = [400, 256], strides = [1, 1]} : vector<400x768xf32> to vector<400x256xf32>
    %add3A_143 = arith.addf %slice3A_141, %slice3A_142 : vector<400x256xf32>
    %logistic3A_144 = arith.negf %add3A_143 : vector<400x256xf32>
    %logistic3A_145 = math.exp %logistic3A_144 : vector<400x256xf32>
    %logistic3A_146 = arith.constant 1.000000e+00 : f32
    %logistic3A_147 = vector.broadcast %logistic3A_146 : f32 to vector<400x256xf32>
    %logistic3A_148 = arith.addf %logistic3A_147, %logistic3A_145 : vector<400x256xf32>
    %logistic3A_149 = arith.divf %logistic3A_147, %logistic3A_148 : vector<400x256xf32>
    %slice3A_150 = vector.extract_strided_slice %add3A_130 {offsets = [0, 256], sizes = [400, 256], strides = [1, 1]} : vector<400x768xf32> to vector<400x256xf32>
    %slice3A_151 = vector.extract_strided_slice %add3A_140 {offsets = [0, 256], sizes = [400, 256], strides = [1, 1]} : vector<400x768xf32> to vector<400x256xf32>
    %add3A_152 = arith.addf %slice3A_150, %slice3A_151 : vector<400x256xf32>
    %logistic3A_153 = arith.negf %add3A_152 : vector<400x256xf32>
    %logistic3A_154 = math.exp %logistic3A_153 : vector<400x256xf32>
    %logistic3A_155 = arith.constant 1.000000e+00 : f32
    %logistic3A_156 = vector.broadcast %logistic3A_155 : f32 to vector<400x256xf32>
    %logistic3A_157 = arith.addf %logistic3A_156, %logistic3A_154 : vector<400x256xf32>
    %logistic3A_158 = arith.divf %logistic3A_156, %logistic3A_157 : vector<400x256xf32>
    %slice3A_159 = vector.extract_strided_slice %add3A_130 {offsets = [0, 512], sizes = [400, 256], strides = [1, 1]} : vector<400x768xf32> to vector<400x256xf32>
    %slice3A_160 = vector.extract_strided_slice %add3A_140 {offsets = [0, 512], sizes = [400, 256], strides = [1, 1]} : vector<400x768xf32> to vector<400x256xf32>
    %mul3A_161 = arith.mulf %logistic3A_149, %slice3A_160 : vector<400x256xf32>
    %add3A_162 = arith.addf %slice3A_159, %mul3A_161 : vector<400x256xf32>
    %tanh3A = math.tanh %add3A_162 : vector<400x256xf32>
    %sub3A_163 = arith.constant 1.000000e+00 : f32
    %sub3A_164 = vector.broadcast %sub3A_163 : f32 to vector<400x256xf32>
    %sub3A_165 = arith.subf %sub3A_164, %logistic3A_158 : vector<400x256xf32>
    %mul3A_166 = arith.mulf %sub3A_165, %tanh3A : vector<400x256xf32>
    %mul3A_167 = arith.mulf %logistic3A_158, %get3A_120 : vector<400x256xf32>
    %add3A_168 = arith.addf %mul3A_166, %mul3A_167 : vector<400x256xf32>
    %get3A_169 = arith.constant 0 : index
    %get3A_170 = arith.constant 0 : index
    %get3A_171 = vector.load %arg16[%get3A_169, %get3A_170] : memref<1x256xf32, #tpu.memory_space<vmem>>, vector<1x256xf32>
    %get3A_172 = arith.constant 0 : index
    %get3A_173 = arith.constant 0 : index
    %get3A_174 = vector.load %arg17[%get3A_172, %get3A_173] : memref<1x256xf32, #tpu.memory_space<vmem>>, vector<1x256xf32>
    %reduce_sum3A_175 = arith.constant dense<0.000000e+00> : vector<400xf32>
    %reduce_sum3A_176 = vector.multi_reduction <add>, %add3A_168, %reduce_sum3A_175 [1] : vector<400x256xf32> to vector<400xf32>
    %broadcast_in_dim3A_177 = vector.shape_cast %reduce_sum3A_176 : vector<400xf32> to vector<400x1xf32>
    %div3A_178 = arith.constant 2.560000e+02 : f32
    %div3A_179 = vector.broadcast %div3A_178 : f32 to vector<400x1xf32>
    %div3A_180 = arith.divf %broadcast_in_dim3A_177, %div3A_179 : vector<400x1xf32>
    %jit3A_181 = arith.constant 0 : i32
    %reduce_sum3A_182 = arith.constant dense<0.000000e+00> : vector<400xf32>
    %reduce_sum3A_183 = vector.multi_reduction <add>, %add3A_168, %reduce_sum3A_182 [1] : vector<400x256xf32> to vector<400xf32>
    %broadcast_in_dim3A_184 = vector.shape_cast %reduce_sum3A_183 : vector<400xf32> to vector<400x1xf32>
    %div3A_185 = arith.constant 2.560000e+02 : f32
    %div3A_186 = vector.broadcast %div3A_185 : f32 to vector<400x1xf32>
    %div3A_187 = arith.divf %broadcast_in_dim3A_184, %div3A_186 : vector<400x1xf32>
    %sub3A_188 = vector.broadcast %div3A_187 : vector<400x1xf32> to vector<400x256xf32>
    %sub3A_189 = arith.subf %add3A_168, %sub3A_188 : vector<400x256xf32>
    %square3A_190 = arith.mulf %sub3A_189, %sub3A_189 : vector<400x256xf32>
    %convert_element_type3A_191 = arith.sitofp %jit3A_181 : i32 to f32
    %sub3A_192 = arith.constant 2.560000e+02 : f32
    %sub3A_193 = arith.subf %sub3A_192, %convert_element_type3A_191 : f32
    %reduce_sum3A_194 = arith.constant dense<0.000000e+00> : vector<400xf32>
    %reduce_sum3A_195 = vector.multi_reduction <add>, %square3A_190, %reduce_sum3A_194 [1] : vector<400x256xf32> to vector<400xf32>
    %broadcast_in_dim3A_196 = vector.shape_cast %reduce_sum3A_195 : vector<400xf32> to vector<400x1xf32>
    %div3A_197 = vector.broadcast %sub3A_193 : f32 to vector<400x1xf32>
    %div3A_198 = arith.divf %broadcast_in_dim3A_196, %div3A_197 : vector<400x1xf32>
    %gt3A_199 = arith.constant 0.000000e+00 : f32
    %gt3A_200 = arith.cmpf ogt, %sub3A_193, %gt3A_199 : f32
    %jit3A_201 = arith.constant 0x7FC00000 : f32
    %broadcast_in_dim3A_202 = vector.broadcast %jit3A_201 : f32 to vector<400x1xf32>
    %select_n3A_203 = arith.select %gt3A_200, %div3A_198, %broadcast_in_dim3A_202 : vector<400x1xf32>
    %sub3A_204 = vector.broadcast %div3A_180 : vector<400x1xf32> to vector<400x256xf32>
    %sub3A_205 = arith.subf %add3A_168, %sub3A_204 : vector<400x256xf32>
    %add3A_206 = arith.constant 9.99999974E-6 : f32
    %add3A_207 = vector.broadcast %add3A_206 : f32 to vector<400x1xf32>
    %add3A_208 = arith.addf %select_n3A_203, %add3A_207 : vector<400x1xf32>
    %sqrt3A_209 = math.sqrt %add3A_208 : vector<400x1xf32>
    %div3A_210 = vector.broadcast %sqrt3A_209 : vector<400x1xf32> to vector<400x256xf32>
    %div3A_211 = arith.divf %sub3A_205, %div3A_210 : vector<400x256xf32>
    %mul3A_212 = vector.broadcast %get3A_171 : vector<1x256xf32> to vector<400x256xf32>
    %mul3A_213 = arith.mulf %div3A_211, %mul3A_212 : vector<400x256xf32>
    %add3A_214 = vector.broadcast %get3A_174 : vector<1x256xf32> to vector<400x256xf32>
    %add3A_215 = arith.addf %mul3A_213, %add3A_214 : vector<400x256xf32>
    %swap3A = arith.constant 0 : index
    %swap3A_216 = arith.constant 0 : index
    %swap3A_217 = vector.load %arg30[%swap3A, %swap3A_216] : memref<400x256xf32, #tpu.memory_space<vmem>>, vector<400x256xf32>
    tpu.vector_store %arg30[%swap3A, %swap3A_216], %add3A_215 {strides = array<i32>} : memref<400x256xf32, #tpu.memory_space<vmem>>, vector<400x256xf32>,
    %get3A_218 = arith.constant 0 : index
    %get3A_219 = arith.constant 0 : index
    %get3A_220 = vector.load %arg18[%get3A_218, %get3A_219] : memref<256x128xf32, #tpu.memory_space<vmem>>, vector<256x128xf32>
    %dot_general3A_221 = arith.constant dense<0.000000e+00> : vector<400x128xf32>
    %dot_general3A_222 = tpu.matmul %add3A_215, %get3A_220, %dot_general3A_221 {dimension_numbers = #tpu.dot_dimension_numbers<[1], [0], [0], [1], [0, 0, 1, 1], [], []>, transpose_lhs_hint = false} : vector<400x256xf32>, vector<256x128xf32>, vector<400x128xf32> -> vector<400x128xf32>
    %get3A_223 = arith.constant 0 : index
    %get3A_224 = arith.constant 0 : index
    %get3A_225 = vector.load %arg19[%get3A_223, %get3A_224] : memref<1x128xf32, #tpu.memory_space<vmem>>, vector<1x128xf32>
    %add3A_226 = vector.broadcast %get3A_225 : vector<1x128xf32> to vector<400x128xf32>
    %add3A_227 = arith.addf %dot_general3A_222, %add3A_226 : vector<400x128xf32>
    %logistic3A_228 = arith.negf %add3A_227 : vector<400x128xf32>
    %logistic3A_229 = math.exp %logistic3A_228 : vector<400x128xf32>
    %logistic3A_230 = arith.constant 1.000000e+00 : f32
    %logistic3A_231 = vector.broadcast %logistic3A_230 : f32 to vector<400x128xf32>
    %logistic3A_232 = arith.addf %logistic3A_231, %logistic3A_229 : vector<400x128xf32>
    %logistic3A_233 = arith.divf %logistic3A_231, %logistic3A_232 : vector<400x128xf32>
    %mul3A_234 = arith.mulf %add3A_227, %logistic3A_233 : vector<400x128xf32>
    %get3A_235 = arith.constant 0 : index
    %get3A_236 = arith.constant 0 : index
    %get3A_237 = vector.load %arg20[%get3A_235, %get3A_236] : memref<128x2xf32, #tpu.memory_space<vmem>>, vector<128x2xf32>
    %dot_general3A_238 = arith.constant dense<0.000000e+00> : vector<400x2xf32>
    %dot_general3A_239 = tpu.matmul %mul3A_234, %get3A_237, %dot_general3A_238 {dimension_numbers = #tpu.dot_dimension_numbers<[1], [0], [0], [1], [0, 0, 1, 1], [], []>, transpose_lhs_hint = false} : vector<400x128xf32>, vector<128x2xf32>, vector<400x2xf32> -> vector<400x2xf32>
    %get3A_240 = arith.constant 0 : index
    %get3A_241 = arith.constant 0 : index
    %get3A_242 = vector.load %arg21[%get3A_240, %get3A_241] : memref<1x2xf32, #tpu.memory_space<vmem>>, vector<1x2xf32>
    %add3A_243 = vector.broadcast %get3A_242 : vector<1x2xf32> to vector<400x2xf32>
    %add3A_244 = arith.addf %dot_general3A_239, %add3A_243 : vector<400x2xf32>
    %slice3A_245 = vector.extract_strided_slice %add3A_244 {offsets = [0, 0], sizes = [400, 1], strides = [1, 1]} : vector<400x2xf32> to vector<400x1xf32>
    %logistic3A_246 = arith.negf %slice3A_245 : vector<400x1xf32>
    %logistic3A_247 = math.exp %logistic3A_246 : vector<400x1xf32>
    %logistic3A_248 = arith.constant 1.000000e+00 : f32
    %logistic3A_249 = vector.broadcast %logistic3A_248 : f32 to vector<400x1xf32>
    %logistic3A_250 = arith.addf %logistic3A_249, %logistic3A_247 : vector<400x1xf32>
    %logistic3A_251 = arith.divf %logistic3A_249, %logistic3A_250 : vector<400x1xf32>
    %swap3A_252 = arith.constant 0 : index
    %swap3A_253 = arith.constant 0 : index
    %swap3A_254 = vector.load %arg31[%swap3A_252, %swap3A_253] : memref<400x1xf32, #tpu.memory_space<vmem>>, vector<400x1xf32>
    tpu.vector_store %arg31[%swap3A_252, %swap3A_253], %logistic3A_251 {strides = array<i32>} : memref<400x1xf32, #tpu.memory_space<vmem>>, vector<400x1xf32>,
    %get3A_255 = arith.constant 0 : index
    %get3A_256 = arith.constant 0 : index
    %get3A_257 = vector.load %arg22[%get3A_255, %get3A_256] : memref<256x64xf32, #tpu.memory_space<vmem>>, vector<256x64xf32>
    %dot_general3A_258 = arith.constant dense<0.000000e+00> : vector<400x64xf32>
    %dot_general3A_259 = tpu.matmul %add3A_215, %get3A_257, %dot_general3A_258 {dimension_numbers = #tpu.dot_dimension_numbers<[1], [0], [0], [1], [0, 0, 1, 1], [], []>, transpose_lhs_hint = false} : vector<400x256xf32>, vector<256x64xf32>, vector<400x64xf32> -> vector<400x64xf32>
    %get3A_260 = arith.constant 0 : index
    %get3A_261 = arith.constant 0 : index
    %get3A_262 = vector.load %arg23[%get3A_260, %get3A_261] : memref<1x64xf32, #tpu.memory_space<vmem>>, vector<1x64xf32>
    %add3A_263 = vector.broadcast %get3A_262 : vector<1x64xf32> to vector<400x64xf32>
    %add3A_264 = arith.addf %dot_general3A_259, %add3A_263 : vector<400x64xf32>
    %logistic3A_265 = arith.negf %add3A_264 : vector<400x64xf32>
    %logistic3A_266 = math.exp %logistic3A_265 : vector<400x64xf32>
    %logistic3A_267 = arith.constant 1.000000e+00 : f32
    %logistic3A_268 = vector.broadcast %logistic3A_267 : f32 to vector<400x64xf32>
    %logistic3A_269 = arith.addf %logistic3A_268, %logistic3A_266 : vector<400x64xf32>
    %logistic3A_270 = arith.divf %logistic3A_268, %logistic3A_269 : vector<400x64xf32>
    %mul3A_271 = arith.mulf %add3A_264, %logistic3A_270 : vector<400x64xf32>
    %get3A_272 = arith.constant 0 : index
    %get3A_273 = arith.constant 0 : index
    %get3A_274 = vector.load %arg24[%get3A_272, %get3A_273] : memref<64x1xf32, #tpu.memory_space<vmem>>, vector<64x1xf32>
    %dot_general3A_275 = arith.constant dense<0.000000e+00> : vector<400x1xf32>
    %dot_general3A_276 = tpu.matmul %mul3A_271, %get3A_274, %dot_general3A_275 {dimension_numbers = #tpu.dot_dimension_numbers<[1], [0], [0], [1], [0, 0, 1, 1], [], []>, transpose_lhs_hint = false} : vector<400x64xf32>, vector<64x1xf32>, vector<400x1xf32> -> vector<400x1xf32>
    %get3A_277 = arith.constant 0 : index
    %get3A_278 = arith.constant 0 : index
    %get3A_279 = vector.load %arg25[%get3A_277, %get3A_278] : memref<1x1xf32, #tpu.memory_space<vmem>>, vector<1x1xf32>
    %add3A_280 = vector.broadcast %get3A_279 : vector<1x1xf32> to vector<400x1xf32>
    %add3A_281 = arith.addf %dot_general3A_276, %add3A_280 : vector<400x1xf32>
    %logistic3A_282 = arith.negf %add3A_281 : vector<400x1xf32>
    %logistic3A_283 = math.exp %logistic3A_282 : vector<400x1xf32>
    %logistic3A_284 = arith.constant 1.000000e+00 : f32
    %logistic3A_285 = vector.broadcast %logistic3A_284 : f32 to vector<400x1xf32>
    %logistic3A_286 = arith.addf %logistic3A_285, %logistic3A_283 : vector<400x1xf32>
    %logistic3A_287 = arith.divf %logistic3A_285, %logistic3A_286 : vector<400x1xf32>
    %swap3A_288 = arith.constant 0 : index
    %swap3A_289 = arith.constant 0 : index
    %swap3A_290 = vector.load %arg32[%swap3A_288, %swap3A_289] : memref<400x1xf32, #tpu.memory_space<vmem>>, vector<400x1xf32>
    tpu.vector_store %arg32[%swap3A_288, %swap3A_289], %logistic3A_287 {strides = array<i32>} : memref<400x1xf32, #tpu.memory_space<vmem>>, vector<400x1xf32>,
    %get3A_291 = arith.constant 0 : index
    %get3A_292 = arith.constant 0 : index
    %get3A_293 = vector.load %arg26[%get3A_291, %get3A_292] : memref<256x64xf32, #tpu.memory_space<vmem>>, vector<256x64xf32>
    %dot_general3A_294 = arith.constant dense<0.000000e+00> : vector<400x64xf32>
    %dot_general3A_295 = tpu.matmul %add3A_215, %get3A_293, %dot_general3A_294 {dimension_numbers = #tpu.dot_dimension_numbers<[1], [0], [0], [1], [0, 0, 1, 1], [], []>, transpose_lhs_hint = false} : vector<400x256xf32>, vector<256x64xf32>, vector<400x64xf32> -> vector<400x64xf32>
    %get3A_296 = arith.constant 0 : index
    %get3A_297 = arith.constant 0 : index
    %get3A_298 = vector.load %arg27[%get3A_296, %get3A_297] : memref<1x64xf32, #tpu.memory_space<vmem>>, vector<1x64xf32>
    %add3A_299 = vector.broadcast %get3A_298 : vector<1x64xf32> to vector<400x64xf32>
    %add3A_300 = arith.addf %dot_general3A_295, %add3A_299 : vector<400x64xf32>
    %logistic3A_301 = arith.negf %add3A_300 : vector<400x64xf32>
    %logistic3A_302 = math.exp %logistic3A_301 : vector<400x64xf32>
    %logistic3A_303 = arith.constant 1.000000e+00 : f32
    %logistic3A_304 = vector.broadcast %logistic3A_303 : f32 to vector<400x64xf32>
    %logistic3A_305 = arith.addf %logistic3A_304, %logistic3A_302 : vector<400x64xf32>
    %logistic3A_306 = arith.divf %logistic3A_304, %logistic3A_305 : vector<400x64xf32>
    %mul3A_307 = arith.mulf %add3A_300, %logistic3A_306 : vector<400x64xf32>
    %get3A_308 = arith.constant 0 : index
    %get3A_309 = arith.constant 0 : index
    %get3A_310 = vector.load %arg28[%get3A_308, %get3A_309] : memref<64x1xf32, #tpu.memory_space<vmem>>, vector<64x1xf32>
    %dot_general3A_311 = arith.constant dense<0.000000e+00> : vector<400x1xf32>
    %dot_general3A_312 = tpu.matmul %mul3A_307, %get3A_310, %dot_general3A_311 {dimension_numbers = #tpu.dot_dimension_numbers<[1], [0], [0], [1], [0, 0, 1, 1], [], []>, transpose_lhs_hint = false} : vector<400x64xf32>, vector<64x1xf32>, vector<400x1xf32> -> vector<400x1xf32>
    %get3A_313 = arith.constant 0 : index
    %get3A_314 = arith.constant 0 : index
    %get3A_315 = vector.load %arg29[%get3A_313, %get3A_314] : memref<1x1xf32, #tpu.memory_space<vmem>>, vector<1x1xf32>
    %add3A_316 = vector.broadcast %get3A_315 : vector<1x1xf32> to vector<400x1xf32>
    %add3A_317 = arith.addf %dot_general3A_312, %add3A_316 : vector<400x1xf32>
    %logistic3A_318 = arith.negf %add3A_317 : vector<400x1xf32>
    %logistic3A_319 = math.exp %logistic3A_318 : vector<400x1xf32>
    %logistic3A_320 = arith.constant 1.000000e+00 : f32
    %logistic3A_321 = vector.broadcast %logistic3A_320 : f32 to vector<400x1xf32>
    %logistic3A_322 = arith.addf %logistic3A_321, %logistic3A_319 : vector<400x1xf32>
    %logistic3A_323 = arith.divf %logistic3A_321, %logistic3A_322 : vector<400x1xf32>
    %mul3A_324 = arith.constant 1.000000e-01 : f32
    %mul3A_325 = vector.broadcast %mul3A_324 : f32 to vector<400x1xf32>
    %mul3A_326 = arith.mulf %logistic3A_323, %mul3A_325 : vector<400x1xf32>
    %add3A_327 = arith.constant 9.99999974E-5 : f32
    %add3A_328 = vector.broadcast %add3A_327 : f32 to vector<400x1xf32>
    %add3A_329 = arith.addf %mul3A_326, %add3A_328 : vector<400x1xf32>
    %swap3A_330 = arith.constant 0 : index
    %swap3A_331 = arith.constant 0 : index
    %swap3A_332 = vector.load %arg33[%swap3A_330, %swap3A_331] : memref<400x1xf32, #tpu.memory_space<vmem>>, vector<400x1xf32>
    tpu.vector_store %arg33[%swap3A_330, %swap3A_331], %add3A_329 {strides = array<i32>} : memref<400x1xf32, #tpu.memory_space<vmem>>, vector<400x1xf32>,
    return
  }
  func.func @transform_0(%arg0: i32) -> (i32, i32) {
    %c0_i32 = arith.constant 0 : i32
    %c0_i32_0 = arith.constant 0 : i32
    return %arg0, %c0_i32 : i32, i32
  }
  func.func @transform_1(%arg0: i32) -> (i32, i32) {
    %c0_i32 = arith.constant 0 : i32
    %c0_i32_0 = arith.constant 0 : i32
    return %arg0, %c0_i32 : i32, i32
  }
  func.func @transform_2(%arg0: i32) -> (i32, i32) {
    %c0_i32 = arith.constant 0 : i32
    %c0_i32_0 = arith.constant 0 : i32
    return %arg0, %c0_i32 : i32, i32
  }
  func.func @transform_3(%arg0: i32) -> (i32, i32) {
    %c0_i32 = arith.constant 0 : i32
    %c0_i32_0 = arith.constant 0 : i32
    %c0_i32_1 = arith.constant 0 : i32
    return %c0_i32, %c0_i32_0 : i32, i32
  }
  func.func @transform_4(%arg0: i32) -> (i32, i32) {
    %c0_i32 = arith.constant 0 : i32
    %c0_i32_0 = arith.constant 0 : i32
    %c0_i32_1 = arith.constant 0 : i32
    return %c0_i32, %c0_i32_0 : i32, i32
  }
  func.func @transform_5(%arg0: i32) -> (i32, i32) {
    %c0_i32 = arith.constant 0 : i32
    %c0_i32_0 = arith.constant 0 : i32
    %c0_i32_1 = arith.constant 0 : i32
    return %c0_i32, %c0_i32_0 : i32, i32
  }
  func.func @transform_6(%arg0: i32) -> (i32, i32) {
    %c0_i32 = arith.constant 0 : i32
    %c0_i32_0 = arith.constant 0 : i32
    %c0_i32_1 = arith.constant 0 : i32
    return %c0_i32, %c0_i32_0 : i32, i32
  }
  func.func @transform_7(%arg0: i32) -> (i32, i32) {
    %c0_i32 = arith.constant 0 : i32
    %c0_i32_0 = arith.constant 0 : i32
    %c0_i32_1 = arith.constant 0 : i32
    return %c0_i32, %c0_i32_0 : i32, i32
  }
  func.func @transform_8(%arg0: i32) -> (i32, i32) {
    %c0_i32 = arith.constant 0 : i32
    %c0_i32_0 = arith.constant 0 : i32
    %c0_i32_1 = arith.constant 0 : i32
    return %c0_i32, %c0_i32_0 : i32, i32
  }
  func.func @transform_9(%arg0: i32) -> (i32, i32) {
    %c0_i32 = arith.constant 0 : i32
    %c0_i32_0 = arith.constant 0 : i32
    %c0_i32_1 = arith.constant 0 : i32
    return %c0_i32, %c0_i32_0 : i32, i32
  }
  func.func @transform_10(%arg0: i32) -> (i32, i32) {
    %c0_i32 = arith.constant 0 : i32
    %c0_i32_0 = arith.constant 0 : i32
    %c0_i32_1 = arith.constant 0 : i32
    return %c0_i32, %c0_i32_0 : i32, i32
  }
  func.func @transform_11(%arg0: i32) -> (i32, i32) {
    %c0_i32 = arith.constant 0 : i32
    %c0_i32_0 = arith.constant 0 : i32
    %c0_i32_1 = arith.constant 0 : i32
    return %c0_i32, %c0_i32_0 : i32, i32
  }
  func.func @transform_12(%arg0: i32) -> (i32, i32) {
    %c0_i32 = arith.constant 0 : i32
    %c0_i32_0 = arith.constant 0 : i32
    %c0_i32_1 = arith.constant 0 : i32
    return %c0_i32, %c0_i32_0 : i32, i32
  }
  func.func @transform_13(%arg0: i32) -> (i32, i32) {
    %c0_i32 = arith.constant 0 : i32
    %c0_i32_0 = arith.constant 0 : i32
    %c0_i32_1 = arith.constant 0 : i32
    return %c0_i32, %c0_i32_0 : i32, i32
  }
  func.func @transform_14(%arg0: i32) -> (i32, i32) {
    %c0_i32 = arith.constant 0 : i32
    %c0_i32_0 = arith.constant 0 : i32
    %c0_i32_1 = arith.constant 0 : i32
    return %c0_i32, %c0_i32_0 : i32, i32
  }
  func.func @transform_15(%arg0: i32) -> (i32, i32) {
    %c0_i32 = arith.constant 0 : i32
    %c0_i32_0 = arith.constant 0 : i32
    %c0_i32_1 = arith.constant 0 : i32
    return %c0_i32, %c0_i32_0 : i32, i32
  }
  func.func @transform_16(%arg0: i32) -> (i32, i32) {
    %c0_i32 = arith.constant 0 : i32
    %c0_i32_0 = arith.constant 0 : i32
    %c0_i32_1 = arith.constant 0 : i32
    return %c0_i32, %c0_i32_0 : i32, i32
  }
  func.func @transform_17(%arg0: i32) -> (i32, i32) {
    %c0_i32 = arith.constant 0 : i32
    %c0_i32_0 = arith.constant 0 : i32
    %c0_i32_1 = arith.constant 0 : i32
    return %c0_i32, %c0_i32_0 : i32, i32
  }
  func.func @transform_18(%arg0: i32) -> (i32, i32) {
    %c0_i32 = arith.constant 0 : i32
    %c0_i32_0 = arith.constant 0 : i32
    %c0_i32_1 = arith.constant 0 : i32
    return %c0_i32, %c0_i32_0 : i32, i32
  }
  func.func @transform_19(%arg0: i32) -> (i32, i32) {
    %c0_i32 = arith.constant 0 : i32
    %c0_i32_0 = arith.constant 0 : i32
    %c0_i32_1 = arith.constant 0 : i32
    return %c0_i32, %c0_i32_0 : i32, i32
  }
  func.func @transform_20(%arg0: i32) -> (i32, i32) {
    %c0_i32 = arith.constant 0 : i32
    %c0_i32_0 = arith.constant 0 : i32
    %c0_i32_1 = arith.constant 0 : i32
    return %c0_i32, %c0_i32_0 : i32, i32
  }
  func.func @transform_21(%arg0: i32) -> (i32, i32) {
    %c0_i32 = arith.constant 0 : i32
    %c0_i32_0 = arith.constant 0 : i32
    %c0_i32_1 = arith.constant 0 : i32
    return %c0_i32, %c0_i32_0 : i32, i32
  }
  func.func @transform_22(%arg0: i32) -> (i32, i32) {
    %c0_i32 = arith.constant 0 : i32
    %c0_i32_0 = arith.constant 0 : i32
    %c0_i32_1 = arith.constant 0 : i32
    return %c0_i32, %c0_i32_0 : i32, i32
  }
  func.func @transform_23(%arg0: i32) -> (i32, i32) {
    %c0_i32 = arith.constant 0 : i32
    %c0_i32_0 = arith.constant 0 : i32
    %c0_i32_1 = arith.constant 0 : i32
    return %c0_i32, %c0_i32_0 : i32, i32
  }
  func.func @transform_24(%arg0: i32) -> (i32, i32) {
    %c0_i32 = arith.constant 0 : i32
    %c0_i32_0 = arith.constant 0 : i32
    %c0_i32_1 = arith.constant 0 : i32
    return %c0_i32, %c0_i32_0 : i32, i32
  }
  func.func @transform_25(%arg0: i32) -> (i32, i32) {
    %c0_i32 = arith.constant 0 : i32
    %c0_i32_0 = arith.constant 0 : i32
    %c0_i32_1 = arith.constant 0 : i32
    return %c0_i32, %c0_i32_0 : i32, i32
  }
  func.func @transform_26(%arg0: i32) -> (i32, i32) {
    %c0_i32 = arith.constant 0 : i32
    %c0_i32_0 = arith.constant 0 : i32
    %c0_i32_1 = arith.constant 0 : i32
    return %c0_i32, %c0_i32_0 : i32, i32
  }
  func.func @transform_27(%arg0: i32) -> (i32, i32) {
    %c0_i32 = arith.constant 0 : i32
    %c0_i32_0 = arith.constant 0 : i32
    %c0_i32_1 = arith.constant 0 : i32
    return %c0_i32, %c0_i32_0 : i32, i32
  }
  func.func @transform_28(%arg0: i32) -> (i32, i32) {
    %c0_i32 = arith.constant 0 : i32
    %c0_i32_0 = arith.constant 0 : i32
    %c0_i32_1 = arith.constant 0 : i32
    return %c0_i32, %c0_i32_0 : i32, i32
  }
  func.func @transform_29(%arg0: i32) -> (i32, i32) {
    %c0_i32 = arith.constant 0 : i32
    %c0_i32_0 = arith.constant 0 : i32
    return %arg0, %c0_i32 : i32, i32
  }
  func.func @transform_30(%arg0: i32) -> (i32, i32) {
    %c0_i32 = arith.constant 0 : i32
    %c0_i32_0 = arith.constant 0 : i32
    return %arg0, %c0_i32 : i32, i32
  }
  func.func @transform_31(%arg0: i32) -> (i32, i32) {
    %c0_i32 = arith.constant 0 : i32
    %c0_i32_0 = arith.constant 0 : i32
    return %arg0, %c0_i32 : i32, i32
  }
  func.func @transform_32(%arg0: i32) -> (i32, i32) {
    %c0_i32 = arith.constant 0 : i32
    %c0_i32_0 = arith.constant 0 : i32
    return %arg0, %c0_i32 : i32, i32
  }
}

</mosaic_0001>

<sc_bundles>
// kernel: kernel.7.cloned.1.call-start
scs
__scs_entry_jumppad:
0x0: {  	(pc) =	sbr.rel $0x88, $3  }
0x1: {  	(tag) =	ssettag $0x0;
	lr =	simm.s32 $0x1  }
0x2: {  	[smem:$0x3F79] =	sst lr;
	_ =	strace $0xD0000000  }
0x3: {  	_ = 	snop  }
0x4: {  	_ = 	snop  }
0x5: {  	_ = 	snop  }
0x6: {  	_ = 	snop  }
0x7: {  	_ = 	snop  }
__scs_overlays_trampoline_lowered:
0x8: {  	[smem:$0x3F88] =	sst s0  }
0x9: {  	[smem:$0x3F89] =	sst s1  }
0xa: {  	[smem:$0x3F8A] =	sst s2  }
0xb: {  	[smem:$0x3F8B] =	sst s3  }
0xc: {  	[smem:$0x3F8C] =	sst s4  }
0xd: {  	[smem:$0x3F8D] =	sst s5  }
0xe: {  	[smem:$0x3F8E] =	sst s6  }
0xf: {  	[smem:$0x3F8F] =	sst s7  }
0x10: {  	[smem:$0x3F90] =	sst s8  }
0x11: {  	[smem:$0x3F91] =	sst s9;
	s0 =	simm.s32 @!p0 $0x0  }
0x12: {  	s1 =	sld [smem:$0x3F77];
	s0 =	simm.s32 @p0 $0x1  }
0x13: {  	[smem:$0x3F92] =	sst s0;
	s0 =	simm.s32 @!p1 $0x0  }
0x14: {  	s2 =	sld [smem:$0x3F76];
	s0 =	simm.s32 @p1 $0x1  }
0x15: {  	[smem:$0x3F93] =	sst s0;
	s0 =	simm.s32 @!p2 $0x0  }
0x16: {  	s3 =	sld [smem:$0x3FDB];
	s0 =	simm.s32 @p2 $0x1  }
0x17: {  	s4 =	simm.s32 $0x1BF5;
	[smem:$0x3F95] =	sst s0  }
0x18: {  	s0 =	sld [smem:$0x3F78];
	_ =	swait.ge [sflag:s4], $0x0  }
0x19: {  	s7 =	sld [smem:$0x3F79]  }
0x1a: {  	s8 =	sadd.s32 $0xFFFFE003, lr  }
0x1b: {  	s9 =	sadd.s32 $0xFFFFFEF7, lr;
	s5 =	simm.s32 $0xFFFFFFFF;
	p2 =	slt.u32 s8, $0xFFFFF086  }
0x1c: {  	p1 =	slt.u32 s9, $0xF7A;
	s5 =	simm.s32 @!p2 $0x0  }
0x1d: {  	s5 =	simm.s32 @p1 $0x1;
	p0 =	seq.s32 s7, s2  }
0x1e: {  	s7 =	smul.u32 @!p0 $0xF7A, s2;
	p2 =	seq.s32 @!p0 s5, $0x0  }
0x1f: {  	s9 =	smul.u32 $0xF7A, s1;
	s8 =	simm.s32 @!p0 $0x1BF5;
	p2 =	por !p2, p0  }
0x20: {  	[sflag:s8] =	ssyncset.s32 @!p0 $0xFFFFF086;
	s6 =	sadd.s32 @!p0 s3, s7;
	s7 =	simm.s32 @!p0 $0x108  }
0x21: {  	s3 =	sadd.s32 s3, s9;
	s6 =	sadd.s32 @!p0 $0x88, s6;
	s7 =	simm.s32 @p2 $0x1082  }
0x22: {  	[simem:s7], [sflag:s8] =	dma.local @!p0 [hbm:s6], $0xF7A  }
0x23: {  	s9 =	sor.u32 $0xD0000000, s2;
	s6 =	simm.s32 $0x108;
	_ =	swait.ge @!p0 [sflag:s8], $0x0  }
0x24: {  	s3 =	sadd.s32 $0x88, s3;
	s6 =	simm.s32 @!p1 $0x1082;
	[sflag:s4] =	ssyncset.s32 $0xFFFFF086  }
0x25: {  	[simem:s6], [sflag:s4] =	dma.local [hbm:s3], $0xF7A  }
0x26: {  	[smem:$0x3F79] =	sst s1;
	(tag) =	ssettag s2;
	_ =	strace s9  }
0x27: {  	s1 =	sld [smem:$0x3F89]  }
0x28: {  	s2 =	sld [smem:$0x3F8A]  }
0x29: {  	s4 =	sld [smem:$0x3F8C]  }
0x2a: {  	p0 =	seq.s32 s5, $0x0;
	s5 =	sld [smem:$0x3F8D]  }
0x2b: {  	s6 =	sld [smem:$0x3F8E]  }
0x2c: {  	s7 =	sld [smem:$0x3F8F]  }
0x2d: {  	s3 =	simm.s32 $0x108;
	s8 =	sld [smem:$0x3F90]  }
0x2e: {  	s3 =	simm.s32 @!p0 $0x1082;
	s9 =	sld [smem:$0x3F91]  }
0x2f: {  	lr =	sadd.s32 s0, s3;
	s0 =	sld [smem:$0x3F88]  }
0x30: {  	s3 =	sld [smem:$0x3F8B]  }
0x31: {  	[smem:$0x3F94] =	sst s10  }
0x32: {  	s10 =	sld [smem:$0x3F92];
	_ =	sdelay $0x3  }
0x33: {  	p0 =	seq.s32 s10, $0x1;
	s10 =	sld [smem:$0x3F94];
	_ =	sdelay $0x3  }
0x34: {  	[smem:$0x3F94] =	sst s10  }
0x35: {  	s10 =	sld [smem:$0x3F93];
	_ =	sdelay $0x3  }
0x36: {  	p1 =	seq.s32 s10, $0x1;
	s10 =	sld [smem:$0x3F94];
	_ =	sdelay $0x3  }
0x37: {  	[smem:$0x3F94] =	sst s10  }
0x38: {  	s10 =	sld [smem:$0x3F95]  }
0x39: {  	_ = 	snop;
	(pc) =	sbr.ind lr, $3  }
0x3a: {  	_ = 	snop  }
0x3b: {  	_ = 	snop  }
0x3c: {  	p2 =	seq.s32 s10, $0x1;
	s10 =	sld [smem:$0x3F94]  }
0x3d: {  	_ =	shalt  }
0x3e: {  	_ =	shalt  }
0x3f: {  	_ =	shalt  }
0x40: {  	_ =	shalt  }
0x41: {  	_ =	shalt  }
0x42: {  	_ =	shalt  }
0x43: {  	_ =	shalt  }
0x44: {  	_ =	shalt  }
0x45: {  	_ =	shalt  }
0x46: {  	_ =	shalt  }
0x47: {  	_ =	shalt  }
0x48: {  	_ =	shalt  }
0x49: {  	_ =	shalt  }
0x4a: {  	_ =	shalt  }
0x4b: {  	_ =	shalt  }
0x4c: {  	_ =	shalt  }
0x4d: {  	_ =	shalt  }
0x4e: {  	_ =	shalt  }
0x4f: {  	_ =	shalt  }
0x50: {  	_ =	shalt  }
0x51: {  	_ =	shalt  }
0x52: {  	_ =	shalt  }
0x53: {  	_ =	shalt  }
0x54: {  	_ =	shalt  }
0x55: {  	_ =	shalt  }
0x56: {  	_ =	shalt  }
0x57: {  	_ =	shalt  }
0x58: {  	_ =	shalt  }
0x59: {  	_ =	shalt  }
0x5a: {  	_ =	shalt  }
0x5b: {  	_ =	shalt  }
0x5c: {  	_ =	shalt  }
0x5d: {  	_ =	shalt  }
0x5e: {  	_ =	shalt  }
0x5f: {  	_ =	shalt  }
0x60: {  	_ =	shalt  }
0x61: {  	_ =	shalt  }
0x62: {  	_ =	shalt  }
0x63: {  	_ =	shalt  }
0x64: {  	_ =	shalt  }
0x65: {  	_ =	shalt  }
0x66: {  	_ =	shalt  }
0x67: {  	_ =	shalt  }
0x68: {  	_ =	shalt  }
0x69: {  	_ =	shalt  }
0x6a: {  	_ =	shalt  }
0x6b: {  	_ =	shalt  }
0x6c: {  	_ =	shalt  }
0x6d: {  	_ =	shalt  }
0x6e: {  	_ =	shalt  }
0x6f: {  	_ =	shalt  }
0x70: {  	_ =	shalt  }
0x71: {  	_ =	shalt  }
0x72: {  	_ =	shalt  }
0x73: {  	_ =	shalt  }
0x74: {  	_ =	shalt  }
0x75: {  	_ =	shalt  }
0x76: {  	_ =	shalt  }
0x77: {  	_ =	shalt  }
0x78: {  	_ =	shalt  }
0x79: {  	_ =	shalt  }
0x7a: {  	_ =	shalt  }
0x7b: {  	_ =	shalt  }
0x7c: {  	_ =	shalt  }
0x7d: {  	_ =	shalt  }
0x7e: {  	_ =	shalt  }
0x7f: {  	_ =	shalt  }
0x80: {  	_ =	shalt  }
0x81: {  	_ =	shalt  }
0x82: {  	_ =	shalt  }
0x83: {  	_ =	shalt  }
0x84: {  	_ =	shalt  }
0x85: {  	_ =	shalt  }
0x86: {  	_ =	shalt  }
0x87: {  	_ =	shalt  }
.Lfunc_end0:
.L_simem_size_0:
called_computation_lowered:
.L_overlay_start_0:
0x88: {  	s2 =	sld [smem:$0x3FD9]  }
0x89: {  	s3 =	sld [smem:$0x3FFE];
	_ =	sdelay $0x1  }
0x8a: {  	s1 =	srdreg.scid  }
0x8b: {  	s0 =	sand.u32 $0x1, s1  }
0x8c: {  	s14 =	sshll.u32 s0, $0xA;
	s2 =	sadd.s32 s3, s2  }
0x8d: {  	s2 =	sadd.s32 s2, s14  }
0x8e: {  	[smem:$0x3FA0] =	sst s2  }
0x8f: {  	_ = 	snop  }
0x90: {  	s2 =	sld [smem:$0x3FD0];
	_ =	sdelay $0x2  }
0x91: {  	s15 =	simm.s32 $0xA;
	s4 =	simm.s32 $0x10  }
0x92: {  	[smem:s4], [sflag:s15] =	dma.local [hbm:s2], $0x1  }
0x93: {  	_ =	swait.eq [sflag:s15], $0x1  }
0x94: {  	[sflag:s15] =	ssyncset.done $0x0  }
0x95: {  	[sflag:s15] =	ssyncadd.s32 $0xFFFFFFFF  }
0x96: {  	s16 =	sld [smem:$0x10];
	(tm) =	ssettm $0x1  }
0x97: {  	s17 =	sld [smem:$0x3FFB];
	_ =	sdelay $0x3  }
0x98: {  	_ =	strace s17  }
0x99: {  	s3 =	sld [smem:$0x3FFC];
	_ =	sdelay $0x3  }
0x9a: {  	_ =	strace s3  }
0x9b: {  	s3 =	sld [smem:$0x3FFD];
	_ =	sdelay $0x3  }
0x9c: {  	_ =	strace s3  }
0x9d: {  	_ =	strace $0x8FFFFFFF  }
0x9e: {  	s18 =	sld [smem:$0x3FDB];
	_ =	sdelay $0x1  }
0x9f: {  	s19 =	simm.s32 $_scs_section_size  }
0xa0: {  	s5 =	simm.s32 $_size__tile_overlayer_lowered;
	s6 =	simm.s32 $_tile_overlayer_lowered  }
0xa1: {  	s22 =	simm.s32 $0x1BFF;
	s21 =	sshll.u32 s6, $0x1;
	s3 =	sadd.s32 s19, s18  }
0xa2: {  	s7 =	simm.s32 $0x0;
	s20 =	sshll.u32 s5, $0x1;
	s5 =	sadd.s32 s21, s3  }
0xa3: {  	[timem:s7], [sflag:s22] =	dma.local [hbm:s5], s20  }
0xa4: {  	_ =	swait.ge [sflag:s22], s20  }
0xa5: {  	s4 =	ssub.s32 $0x0, s20;
	[sflag:s22] =	ssyncset.done $0x0  }
0xa6: {  	[sflag:s22] =	ssyncadd.s32 s4;
	_ =	sdelay $0x1  }
0xa7: {  	s23 =	simm.s32 $0x1B8B  }
0xa8: {  	_ =	swait.ge [sflag:s23], $0x1  }
0xa9: {  	[sflag:s23] =	ssyncset.done $0x0  }
0xaa: {  	s25 =	simm.s32 $0x1B8E;
	s24 =	sld [smem:$0x3FFE];
	[sflag:s23] =	ssyncadd.s32 $0xFFFFFFFF  }
0xab: {  	s26 =	simm.s32 $execute0_lowered;
	[smem:$0x3FD2] =	sst s25  }
0xac: {  	s5 =	sshll.u32 s26, $0x1;
	_ =	strace $0x80000046;
	[dreg:$0x1] =	wrdreg $0xFFFFFFFF  }
0xad: {  	s28 =	simm.s32 $_size_execute0_lowered;
	s3 =	sadd.s32 s3, s5;
	[dreg:$0x0] =	wrdreg $0x0  }
0xae: {  	s5 =	sshll.u32 s28, $0x1;
	[dreg:$0x2] =	wrdreg s3  }
0xaf: {  	[dreg:$0x3] =	wrdreg s5  }
0xb0: {  	[dreg:$0x4] =	wrdreg $0xC0  }
0xb1: {  	_ =	task [dreg:s7], $0x5FFFF  }
0xb2: {  	[dreg:$0x1] =	wrdreg $0xFFFFFFFF  }
0xb3: {  	[dreg:$0x0] =	wrdreg $0x60  }
0xb4: {  	[dreg:$0x2] =	wrdreg s16  }
0xb5: {  	[dreg:$0x3] =	wrdreg s24  }
0xb6: {  	[dreg:$0x4] =	wrdreg $0x9  }
0xb7: {  	_ =	task.clear_ibuf [dreg:s7], $0x5FFFF;
	_ =	strace $0x90000046  }
0xb8: {  	s29 =	simm.s32 $0x9;
	_ =	strace $0x80000048  }
0xb9: {  	_ =	swait.ge [sflag:s29], $0x1  }
0xba: {  	[sflag:s29] =	ssyncadd.s32 $0xFFFFFFFF  }
0xbb: {  	_ =	strace $0x90000048  }
0xbc: {  	_ =	sfence  }
0xbd: {  	s30 =	sld [smem:$0x0];
	_ =	sdelay $0x2  }
0xbe: {  	s31 =	sshll.u32 s1, $0xD;
	s1 =	sshrl.u32 s1, $0x2  }
0xbf: {  	s3 =	sand.u32 $0x4000, s31;
	s1 =	sadd.s32 s1, s30  }
0xc0: {  	s0 =	sor.u32 s3, s0;
	s1 =	sshll.u32 s1, $0x11  }
0xc1: {  	s0 =	sor.u32 s1, s0  }
0xc2: {  	s0 =	sadd.s32 $0x8F2B, s0  }
0xc3: {  	[sflag:s0] =	ssyncadd.remote.s32 $0x1  }
0xc4: {  	_ =	sfence.sel $0xFFFF  }
0xc5: {  	[dreg:$0x0] =	wrdreg $0xFFFFFFFF;
	(pc) =	sbr.abs _section_cstart, $3  }
0xc6: {  	[dreg:$0x1] =	wrdreg $0xFFFFFFFF  }
0xc7: {  	_ =	task.clear_ibuf [dreg:s7], $0x2FFFF;
	_ =	strace $0x9FFFFFFF  }
0xc8: {  	(tm) =	ssettm $0x7FFFFFFF  }
0xc9: {  	_ =	shalt  }
tec
execute0_lowered:
.L_overlay_start_1:
0x0: {  	(tag) =	ssettag $0x1  }
0x1: {  	s2 =	rddreg [dreg:$0x0]  }
0x2: {  	s0 =	rddreg [dreg:$0x1];
	s1 =	srdreg.scid  }
0x3: {  	s13 =	stileid.u32;
	s3 =	simm.s32 $0x0;
	s21 =	simm.s32 $0x80  }
0x4: {  	s22 =	simm.s32 $0xA00;
	s24 =	simm.s32 $0x1200;
	s25 =	simm.s32 $0x1A00  }
0x5: {  	s26 =	simm.s32 $0x2200;
	s14 =	simm.s32 $0x3200;
	s16 =	simm.s32 $0x3A00  }
0x6: {  	s17 =	simm.s32 $0x4200;
	s18 =	simm.s32 $0x4A00;
	[smem:$0x7FF] =	sst s3  }
0x7: {  	s28 =	simm.s32 $0xEA00;
	_ =	strace $0x80000047;
	[dreg:$0x5] =	wrdreg s21  }
0x8: {  	s29 =	simm.s32 $0xF200;
	s30 =	simm.s32 $0xFA00;
	[dreg:$0x6] =	wrdreg s22  }
0x9: {  	s31 =	simm.s32 $0x1;
	s1 =	sand.u32 $0x1, s1;
	[dreg:$0x7] =	wrdreg s24  }
0xa: {  	s5 =	smul.u32 $0x2710, s13;
	s4 =	sadd.s32 $0xF000, s0;
	[dreg:$0x8] =	wrdreg s25  }
0xb: {  	s7 =	sadd.s32 $0x5000, s0;
	s8 =	sadd.s32 $0xA000, s0;
	[dreg:$0x9] =	wrdreg s26  }
0xc: {  	s10 =	sadd.s32 $0xD2600, s0;
	s0 =	sadd.s32 $0x5B4600, s0;
	[dreg:$0xb] =	wrdreg s14  }
0xd: {  	s11 =	sshll.u32 s13, $0x1;
	s19 =	smul.u32 $0x4E200, s13;
	[dreg:$0xc] =	wrdreg s16  }
0xe: {  	s13 =	simm.s32 $0x200;
	s6 =	smul.u32 $0x1388, s1;
	[dreg:$0xd] =	wrdreg s17  }
0xf: {  	s20 =	ssub.s32 $0x2, s1;
	s11 =	sor.u32 s1, s11;
	[dreg:$0xe] =	wrdreg s18  }
0x10: {  	s1 =	smul.u32 $0x27100, s1;
	s21 =	simm.s32 $0x5A00;
	s24 =	simm.s32 $0x6A00  }
0x11: {  	s25 =	simm.s32 $0x7200;
	s26 =	simm.s32 $0x7A00;
	s14 =	simm.s32 $0x8200  }
0x12: {  	s16 =	simm.s32 $0x9200;
	s17 =	simm.s32 $0x9A00;
	[dreg:$0x10] =	wrdreg s21  }
0x13: {  	s18 =	simm.s32 $0xA200;
	s9 =	sshrl.u32 s20, $0x1;
	[dreg:$0x12] =	wrdreg s24  }
0x14: {  	s11 =	smul.u32 $0x1388, s11;
	s22 =	sadd.s32 s19, s10;
	[dreg:$0x13] =	wrdreg s25  }
0x15: {  	[dreg:$0x14] =	wrdreg s26;
	s21 =	simm.s32 $0xBA00;
	s24 =	simm.s32 $0xD200  }
0x16: {  	s25 =	simm.s32 $0xDA00;
	s26 =	simm.s32 $0xE200;
	s5 =	sadd.s32 s6, s5  }
0x17: {  	s6 =	ssub.s32 s20, s9;
	s20 =	simm.s32 $0x5200;
	s5 =	sshrl.u32 s5, $0x3  }
0x18: {  	s23 =	sadd.s32 $0x1380, s11;
	s6 =	smax.u32 s6, $0x1;
	[dreg:$0xf] =	wrdreg s20  }
0x19: {  	s20 =	simm.s32 $0xB200;
	s12 =	sadd.s32 s5, s8;
	[dreg:$0x19] =	wrdreg s6  }
0x1a: {  	s5 =	sadd.s32 s5, s7;
	s11 =	sshrl.u32 s23, $0x3;
	[dreg:$0x3] =	wrdreg s12  }
0x1b: {  	s6 =	sadd.s32 s1, s22;
	[dreg:$0x4] =	wrdreg s5;
	s7 =	sadd.s32 s7, s11  }
0x1c: {  	s22 =	simm.s32 $0xC200;
	s8 =	sadd.s32 s8, s11;
	[dreg:$0x15] =	wrdreg s7  }
0x1d: {  	s11 =	simm.s32 $0x2A00;
	s12 =	sshll.u32 s23, $0x5;
	[dreg:$0x16] =	wrdreg s8  }
0x1e: {  	s23 =	simm.s32 $0x6200;
	[dreg:$0xa] =	wrdreg s11;
	s15 =	sadd.s32 s10, s12  }
0x1f: {  	s7 =	sadd.s32 s0, s12;
	[dreg:$0x11] =	wrdreg s23;
	s0 =	sadd.s32 s19, s0  }
0x20: {  	v2 =	vlaneseq.u32;
	s12 =	simm.s32 $0x3;
	s19 =	simm.s32 $0xAA00;
	[dreg:$0x17] =	wrdreg s15  }
0x21: {  	vm0 =	vmmov $0xffff;
	v1 =	vshrl.u32 v2, $0x3;
	s23 =	simm.s32 $0xCA00;
	[dreg:$0x18] =	wrdreg s7;
	s5 =	sadd.s32 s1, s0  }
0x22: {  	v0 =	vand.u32 $0x7, v2;
	v2 =	vor.u32 $0x8, v2;
	v1 =	vmul.u32 $0x8, v1;
	s15 =	simm.s32 $0x8A00;
	s0 =	simm.s32 $0x2;
	s1 =	simm.s32 $0x0  }
.LBB2_1:
0x23: {  	s11 =	smov.u32 s5;
	s10 =	smov.u32 s6;
	s7 =	simm.s32 $0x0  }
.LBB2_2:
0x24: {  	s8 =	rddreg [dreg:$0x4]  }
0x25: {  	s8 =	sadd.s32 s7, s8  }
0x26: {  	[tilespmem:s3], [sflag:$0x3] =	stream.linear.gather [hbm4b:s8+s3], $0x80, $0x38;
	[tilespmem:$0x10200] =	vst v63  }
0x27: {  	_ =	swait.ge [sflag:s12], $0x80  }
0x28: {  	s8 =	rddreg [dreg:$0x3];
	[sflag:s12] =	ssyncset.done $0x0  }
0x29: {  	s9 =	rddreg [dreg:$0x5];
	[sflag:s12] =	ssyncadd.s32 $0xFFFFFF80;
	s8 =	sadd.s32 s7, s8  }
0x2a: {  	[tilespmem:s9], [sflag:$0x3] =	stream.linear.gather [hbm4b:s8+s3], $0x80, $0x38;
	[tilespmem:$0x10200] =	vst v63  }
0x2b: {  	_ =	swait.ge [sflag:s12], $0x80  }
0x2c: {  	[sflag:s12] =	ssyncset.done $0x0  }
0x2d: {  	[sflag:s12] =	ssyncadd.s32 $0xFFFFFF80  }
0x2e: {  	v3 =	vld [tilespmem:$0x0];
	_ =	sdelay $0x4  }
0x2f: {  	v4 =	vshll.u32 v3, $0x1  }
0x30: {  	v3 =	vand.u32 $0x7, v3;
	v4 =	vand.u32 $0xFFFFFFF0, v4  }
0x31: {  	v3 =	vor.u32 v3, v4  }
0x32: {  	v4 =	vperm.xlane v3, v0;
	_ =	sdelay $0x1  }
0x33: {  	v3 =	vperm.xlane v3, v2;
	v4 =	vadd.s32 v1, v4;
	_ =	sdelay $0x1  }
0x34: {  	v3 =	vadd.s32 v1, v3;
	_ =	sdelay $0x2  }
0x35: {  	[tilespmem:s13], [sflag:$0x1] =	stream.indirect_vreg.gather [hbm4b:s2+s3], $0x80, v4, vm0, $0xb8;
	[tilespmem:$0x10200] =	vst v63  }
0x36: {  	s9 =	rddreg [dreg:$0x6]  }
0x37: {  	[tilespmem:s9], [sflag:$0x1] =	stream.indirect_vreg.gather [hbm4b:s2+s3], $0x80, v3, vm0, $0xb8;
	[tilespmem:$0x10200] =	vst v63  }
0x38: {  	v3 =	vld [tilespmem:$0x10];
	_ =	sdelay $0x4  }
0x39: {  	v49 =	vshll.u32 v3, $0x1  }
0x3a: {  	v3 =	vand.u32 $0x7, v3;
	v4 =	vand.u32 $0xFFFFFFF0, v49  }
0x3b: {  	v3 =	vor.u32 v3, v4  }
0x3c: {  	v4 =	vperm.xlane v3, v0;
	_ =	sdelay $0x1  }
0x3d: {  	v3 =	vperm.xlane v3, v2;
	v4 =	vadd.s32 v1, v4;
	_ =	sdelay $0x1  }
0x3e: {  	v3 =	vadd.s32 v1, v3;
	_ =	sdelay $0x1  }
0x3f: {  	s8 =	rddreg [dreg:$0x7]  }
0x40: {  	[tilespmem:s8], [sflag:$0x1] =	stream.indirect_vreg.gather [hbm4b:s2+s3], $0x80, v4, vm0, $0xb8;
	[tilespmem:$0x10200] =	vst v63  }
0x41: {  	s9 =	rddreg [dreg:$0x8]  }
0x42: {  	[tilespmem:s9], [sflag:$0x1] =	stream.indirect_vreg.gather [hbm4b:s2+s3], $0x80, v3, vm0, $0xb8;
	[tilespmem:$0x10200] =	vst v63  }
0x43: {  	v3 =	vld [tilespmem:$0x20];
	_ =	sdelay $0x4  }
0x44: {  	v50 =	vshll.u32 v3, $0x1  }
0x45: {  	v3 =	vand.u32 $0x7, v3;
	v4 =	vand.u32 $0xFFFFFFF0, v50  }
0x46: {  	v3 =	vor.u32 v3, v4  }
0x47: {  	v4 =	vperm.xlane v3, v0;
	_ =	sdelay $0x1  }
0x48: {  	v3 =	vperm.xlane v3, v2;
	v4 =	vadd.s32 v1, v4;
	_ =	sdelay $0x1  }
0x49: {  	v3 =	vadd.s32 v1, v3;
	_ =	sdelay $0x1  }
0x4a: {  	s8 =	rddreg [dreg:$0x9]  }
0x4b: {  	[tilespmem:s8], [sflag:$0x1] =	stream.indirect_vreg.gather [hbm4b:s2+s3], $0x80, v4, vm0, $0xb8;
	[tilespmem:$0x10200] =	vst v63  }
0x4c: {  	s9 =	rddreg [dreg:$0xa]  }
0x4d: {  	[tilespmem:s9], [sflag:$0x1] =	stream.indirect_vreg.gather [hbm4b:s2+s3], $0x80, v3, vm0, $0xb8;
	[tilespmem:$0x10200] =	vst v63  }
0x4e: {  	v3 =	vld [tilespmem:$0x30];
	_ =	sdelay $0x4  }
0x4f: {  	v51 =	vshll.u32 v3, $0x1  }
0x50: {  	v3 =	vand.u32 $0x7, v3;
	v4 =	vand.u32 $0xFFFFFFF0, v51  }
0x51: {  	v3 =	vor.u32 v3, v4  }
0x52: {  	v4 =	vperm.xlane v3, v0;
	_ =	sdelay $0x1  }
0x53: {  	v3 =	vperm.xlane v3, v2;
	v4 =	vadd.s32 v1, v4;
	_ =	sdelay $0x1  }
0x54: {  	v3 =	vadd.s32 v1, v3;
	_ =	sdelay $0x1  }
0x55: {  	s8 =	rddreg [dreg:$0xb]  }
0x56: {  	[tilespmem:s8], [sflag:$0x1] =	stream.indirect_vreg.gather [hbm4b:s2+s3], $0x80, v4, vm0, $0xb8;
	[tilespmem:$0x10200] =	vst v63  }
0x57: {  	s9 =	rddreg [dreg:$0xc]  }
0x58: {  	[tilespmem:s9], [sflag:$0x1] =	stream.indirect_vreg.gather [hbm4b:s2+s3], $0x80, v3, vm0, $0xb8;
	[tilespmem:$0x10200] =	vst v63  }
0x59: {  	v3 =	vld [tilespmem:$0x40];
	_ =	sdelay $0x4  }
0x5a: {  	v52 =	vshll.u32 v3, $0x1  }
0x5b: {  	v3 =	vand.u32 $0x7, v3;
	v4 =	vand.u32 $0xFFFFFFF0, v52  }
0x5c: {  	v3 =	vor.u32 v3, v4  }
0x5d: {  	v4 =	vperm.xlane v3, v0;
	_ =	sdelay $0x1  }
0x5e: {  	v3 =	vperm.xlane v3, v2;
	v4 =	vadd.s32 v1, v4;
	_ =	sdelay $0x1  }
0x5f: {  	v3 =	vadd.s32 v1, v3;
	_ =	sdelay $0x1  }
0x60: {  	s8 =	rddreg [dreg:$0xd]  }
0x61: {  	[tilespmem:s8], [sflag:$0x1] =	stream.indirect_vreg.gather [hbm4b:s2+s3], $0x80, v4, vm0, $0xb8;
	[tilespmem:$0x10200] =	vst v63  }
0x62: {  	s9 =	rddreg [dreg:$0xe]  }
0x63: {  	[tilespmem:s9], [sflag:$0x1] =	stream.indirect_vreg.gather [hbm4b:s2+s3], $0x80, v3, vm0, $0xb8;
	[tilespmem:$0x10200] =	vst v63  }
0x64: {  	v3 =	vld [tilespmem:$0x50];
	_ =	sdelay $0x4  }
0x65: {  	v53 =	vshll.u32 v3, $0x1  }
0x66: {  	v3 =	vand.u32 $0x7, v3;
	v4 =	vand.u32 $0xFFFFFFF0, v53  }
0x67: {  	v3 =	vor.u32 v3, v4  }
0x68: {  	v4 =	vperm.xlane v3, v0;
	_ =	sdelay $0x1  }
0x69: {  	v3 =	vperm.xlane v3, v2;
	v4 =	vadd.s32 v1, v4;
	_ =	sdelay $0x1  }
0x6a: {  	v3 =	vadd.s32 v1, v3;
	_ =	sdelay $0x1  }
0x6b: {  	s8 =	rddreg [dreg:$0xf]  }
0x6c: {  	[tilespmem:s8], [sflag:$0x1] =	stream.indirect_vreg.gather [hbm4b:s2+s3], $0x80, v4, vm0, $0xb8;
	[tilespmem:$0x10200] =	vst v63  }
0x6d: {  	s9 =	rddreg [dreg:$0x10]  }
0x6e: {  	[tilespmem:s9], [sflag:$0x1] =	stream.indirect_vreg.gather [hbm4b:s2+s3], $0x80, v3, vm0, $0xb8;
	[tilespmem:$0x10200] =	vst v63  }
0x6f: {  	v3 =	vld [tilespmem:$0x60];
	_ =	sdelay $0x4  }
0x70: {  	v54 =	vshll.u32 v3, $0x1  }
0x71: {  	v3 =	vand.u32 $0x7, v3;
	v4 =	vand.u32 $0xFFFFFFF0, v54  }
0x72: {  	v3 =	vor.u32 v3, v4  }
0x73: {  	v4 =	vperm.xlane v3, v0;
	_ =	sdelay $0x1  }
0x74: {  	v3 =	vperm.xlane v3, v2;
	v4 =	vadd.s32 v1, v4;
	_ =	sdelay $0x1  }
0x75: {  	v3 =	vadd.s32 v1, v3;
	_ =	sdelay $0x1  }
0x76: {  	s8 =	rddreg [dreg:$0x11]  }
0x77: {  	[tilespmem:s8], [sflag:$0x1] =	stream.indirect_vreg.gather [hbm4b:s2+s3], $0x80, v4, vm0, $0xb8;
	[tilespmem:$0x10200] =	vst v63  }
0x78: {  	s9 =	rddreg [dreg:$0x12]  }
0x79: {  	[tilespmem:s9], [sflag:$0x1] =	stream.indirect_vreg.gather [hbm4b:s2+s3], $0x80, v3, vm0, $0xb8;
	[tilespmem:$0x10200] =	vst v63  }
0x7a: {  	v3 =	vld [tilespmem:$0x70];
	_ =	sdelay $0x4  }
0x7b: {  	v55 =	vshll.u32 v3, $0x1  }
0x7c: {  	v3 =	vand.u32 $0x7, v3;
	v4 =	vand.u32 $0xFFFFFFF0, v55  }
0x7d: {  	v3 =	vor.u32 v3, v4  }
0x7e: {  	v4 =	vperm.xlane v3, v0;
	_ =	sdelay $0x1  }
0x7f: {  	v3 =	vperm.xlane v3, v2;
	v4 =	vadd.s32 v1, v4;
	_ =	sdelay $0x1  }
0x80: {  	v3 =	vadd.s32 v1, v3;
	_ =	sdelay $0x1  }
0x81: {  	s8 =	rddreg [dreg:$0x13]  }
0x82: {  	[tilespmem:s8], [sflag:$0x1] =	stream.indirect_vreg.gather [hbm4b:s2+s3], $0x80, v4, vm0, $0xb8;
	[tilespmem:$0x10200] =	vst v63  }
0x83: {  	s9 =	rddreg [dreg:$0x14]  }
0x84: {  	[tilespmem:s9], [sflag:$0x1] =	stream.indirect_vreg.gather [hbm4b:s2+s3], $0x80, v3, vm0, $0xb8;
	[tilespmem:$0x10200] =	vst v63  }
0x85: {  	v3 =	vld [tilespmem:$0x80];
	_ =	sdelay $0x4  }
0x86: {  	v56 =	vshll.u32 v3, $0x1  }
0x87: {  	v3 =	vand.u32 $0x7, v3;
	v4 =	vand.u32 $0xFFFFFFF0, v56  }
0x88: {  	v3 =	vor.u32 v3, v4  }
0x89: {  	v4 =	vperm.xlane v3, v0;
	_ =	sdelay $0x1  }
0x8a: {  	v3 =	vperm.xlane v3, v2;
	v4 =	vadd.s32 v1, v4;
	_ =	sdelay $0x1  }
0x8b: {  	v3 =	vadd.s32 v1, v3;
	_ =	sdelay $0x2  }
0x8c: {  	[tilespmem:s14], [sflag:$0x2] =	stream.indirect_vreg.gather [hbm4b:s4+s3], $0x80, v4, vm0, $0xb8;
	[tilespmem:$0x10200] =	vst v63  }
0x8d: {  	_ = 	snop  }
0x8e: {  	[tilespmem:s15], [sflag:$0x2] =	stream.indirect_vreg.gather [hbm4b:s4+s3], $0x80, v3, vm0, $0xb8;
	[tilespmem:$0x10200] =	vst v63  }
0x8f: {  	v3 =	vld [tilespmem:$0x90];
	_ =	sdelay $0x4  }
0x90: {  	v57 =	vshll.u32 v3, $0x1  }
0x91: {  	v3 =	vand.u32 $0x7, v3;
	v4 =	vand.u32 $0xFFFFFFF0, v57  }
0x92: {  	v3 =	vor.u32 v3, v4  }
0x93: {  	v4 =	vperm.xlane v3, v0;
	_ =	sdelay $0x1  }
0x94: {  	v3 =	vperm.xlane v3, v2;
	v4 =	vadd.s32 v1, v4;
	_ =	sdelay $0x1  }
0x95: {  	v3 =	vadd.s32 v1, v3;
	_ =	sdelay $0x2  }
0x96: {  	[tilespmem:s16], [sflag:$0x2] =	stream.indirect_vreg.gather [hbm4b:s4+s3], $0x80, v4, vm0, $0xb8;
	[tilespmem:$0x10200] =	vst v63  }
0x97: {  	_ = 	snop  }
0x98: {  	[tilespmem:s17], [sflag:$0x2] =	stream.indirect_vreg.gather [hbm4b:s4+s3], $0x80, v3, vm0, $0xb8;
	[tilespmem:$0x10200] =	vst v63  }
0x99: {  	v3 =	vld [tilespmem:$0xA0];
	_ =	sdelay $0x4  }
0x9a: {  	v58 =	vshll.u32 v3, $0x1  }
0x9b: {  	v3 =	vand.u32 $0x7, v3;
	v4 =	vand.u32 $0xFFFFFFF0, v58  }
0x9c: {  	v3 =	vor.u32 v3, v4  }
0x9d: {  	v4 =	vperm.xlane v3, v0;
	_ =	sdelay $0x1  }
0x9e: {  	v3 =	vperm.xlane v3, v2;
	v4 =	vadd.s32 v1, v4;
	_ =	sdelay $0x1  }
0x9f: {  	v3 =	vadd.s32 v1, v3;
	_ =	sdelay $0x2  }
0xa0: {  	[tilespmem:s18], [sflag:$0x2] =	stream.indirect_vreg.gather [hbm4b:s4+s3], $0x80, v4, vm0, $0xb8;
	[tilespmem:$0x10200] =	vst v63  }
0xa1: {  	_ = 	snop  }
0xa2: {  	[tilespmem:s19], [sflag:$0x2] =	stream.indirect_vreg.gather [hbm4b:s4+s3], $0x80, v3, vm0, $0xb8;
	[tilespmem:$0x10200] =	vst v63  }
0xa3: {  	v3 =	vld [tilespmem:$0xB0];
	_ =	sdelay $0x4  }
0xa4: {  	v59 =	vshll.u32 v3, $0x1  }
0xa5: {  	v3 =	vand.u32 $0x7, v3;
	v4 =	vand.u32 $0xFFFFFFF0, v59  }
0xa6: {  	v3 =	vor.u32 v3, v4  }
0xa7: {  	v4 =	vperm.xlane v3, v0;
	_ =	sdelay $0x1  }
0xa8: {  	v3 =	vperm.xlane v3, v2;
	v4 =	vadd.s32 v1, v4;
	_ =	sdelay $0x1  }
0xa9: {  	v3 =	vadd.s32 v1, v3;
	_ =	sdelay $0x2  }
0xaa: {  	[tilespmem:s20], [sflag:$0x2] =	stream.indirect_vreg.gather [hbm4b:s4+s3], $0x80, v4, vm0, $0xb8;
	[tilespmem:$0x10200] =	vst v63  }
0xab: {  	_ = 	snop  }
0xac: {  	[tilespmem:s21], [sflag:$0x2] =	stream.indirect_vreg.gather [hbm4b:s4+s3], $0x80, v3, vm0, $0xb8;
	[tilespmem:$0x10200] =	vst v63  }
0xad: {  	v3 =	vld [tilespmem:$0xC0];
	_ =	sdelay $0x4  }
0xae: {  	v60 =	vshll.u32 v3, $0x1  }
0xaf: {  	v3 =	vand.u32 $0x7, v3;
	v4 =	vand.u32 $0xFFFFFFF0, v60  }
0xb0: {  	v3 =	vor.u32 v3, v4  }
0xb1: {  	v4 =	vperm.xlane v3, v0;
	_ =	sdelay $0x1  }
0xb2: {  	v3 =	vperm.xlane v3, v2;
	v4 =	vadd.s32 v1, v4;
	_ =	sdelay $0x1  }
0xb3: {  	v3 =	vadd.s32 v1, v3;
	_ =	sdelay $0x2  }
0xb4: {  	[tilespmem:s22], [sflag:$0x2] =	stream.indirect_vreg.gather [hbm4b:s4+s3], $0x80, v4, vm0, $0xb8;
	[tilespmem:$0x10200] =	vst v63  }
0xb5: {  	_ = 	snop  }
0xb6: {  	[tilespmem:s23], [sflag:$0x2] =	stream.indirect_vreg.gather [hbm4b:s4+s3], $0x80, v3, vm0, $0xb8;
	[tilespmem:$0x10200] =	vst v63  }
0xb7: {  	v3 =	vld [tilespmem:$0xD0];
	_ =	sdelay $0x4  }
0xb8: {  	v61 =	vshll.u32 v3, $0x1  }
0xb9: {  	v3 =	vand.u32 $0x7, v3;
	v4 =	vand.u32 $0xFFFFFFF0, v61  }
0xba: {  	v3 =	vor.u32 v3, v4  }
0xbb: {  	v4 =	vperm.xlane v3, v0;
	_ =	sdelay $0x1  }
0xbc: {  	v3 =	vperm.xlane v3, v2;
	v4 =	vadd.s32 v1, v4;
	_ =	sdelay $0x1  }
0xbd: {  	v3 =	vadd.s32 v1, v3;
	_ =	sdelay $0x2  }
0xbe: {  	[tilespmem:s24], [sflag:$0x2] =	stream.indirect_vreg.gather [hbm4b:s4+s3], $0x80, v4, vm0, $0xb8;
	[tilespmem:$0x10200] =	vst v63  }
0xbf: {  	_ = 	snop  }
0xc0: {  	[tilespmem:s25], [sflag:$0x2] =	stream.indirect_vreg.gather [hbm4b:s4+s3], $0x80, v3, vm0, $0xb8;
	[tilespmem:$0x10200] =	vst v63  }
0xc1: {  	v3 =	vld [tilespmem:$0xE0];
	_ =	sdelay $0x4  }
0xc2: {  	v62 =	vshll.u32 v3, $0x1  }
0xc3: {  	v3 =	vand.u32 $0x7, v3;
	v4 =	vand.u32 $0xFFFFFFF0, v62  }
0xc4: {  	v3 =	vor.u32 v3, v4  }
0xc5: {  	v4 =	vperm.xlane v3, v0;
	_ =	sdelay $0x1  }
0xc6: {  	v3 =	vperm.xlane v3, v2;
	v4 =	vadd.s32 v1, v4;
	_ =	sdelay $0x1  }
0xc7: {  	v3 =	vadd.s32 v1, v3;
	_ =	sdelay $0x2  }
0xc8: {  	[tilespmem:s26], [sflag:$0x2] =	stream.indirect_vreg.gather [hbm4b:s4+s3], $0x80, v4, vm0, $0xb8;
	[tilespmem:$0x10200] =	vst v63  }
0xc9: {  	_ = 	snop  }
0xca: {  	[tilespmem:s28], [sflag:$0x2] =	stream.indirect_vreg.gather [hbm4b:s4+s3], $0x80, v3, vm0, $0xb8;
	[tilespmem:$0x10200] =	vst v63  }
0xcb: {  	v3 =	vld [tilespmem:$0xF0];
	_ =	sdelay $0x4  }
0xcc: {  	v63 =	vshll.u32 v3, $0x1  }
0xcd: {  	v3 =	vand.u32 $0x7, v3;
	v4 =	vand.u32 $0xFFFFFFF0, v63  }
0xce: {  	v3 =	vor.u32 v3, v4  }
0xcf: {  	v4 =	vperm.xlane v3, v0;
	_ =	sdelay $0x1  }
0xd0: {  	v3 =	vperm.xlane v3, v2;
	v4 =	vadd.s32 v1, v4;
	_ =	sdelay $0x1  }
0xd1: {  	v3 =	vadd.s32 v1, v3;
	_ =	sdelay $0x2  }
0xd2: {  	[tilespmem:s29], [sflag:$0x2] =	stream.indirect_vreg.gather [hbm4b:s4+s3], $0x80, v4, vm0, $0xb8;
	[tilespmem:$0x10200] =	vst v63  }
0xd3: {  	_ = 	snop  }
0xd4: {  	[tilespmem:s30], [sflag:$0x2] =	stream.indirect_vreg.gather [hbm4b:s4+s3], $0x80, v3, vm0, $0xb8;
	[tilespmem:$0x10200] =	vst v63  }
0xd5: {  	_ =	swait.ge [sflag:s31], $0x8000  }
0xd6: {  	[sflag:s31] =	ssyncset.done $0x0  }
0xd7: {  	[sflag:s31] =	ssyncadd.s32 $0xFFFF8000  }
0xd8: {  	_ =	swait.ge [sflag:s0], $0x8000  }
0xd9: {  	[sflag:s0] =	ssyncset.done $0x0  }
0xda: {  	[sflag:s0] =	ssyncadd.s32 $0xFFFF8000  }
0xdb: {  	[hbm4b:s10+s3] =	stream.linear.scatter [tilespmem:s13], [sflag:$0x3], $0x8000, $0x38;
	[tilespmem:$0x10200] =	vst v63  }
0xdc: {  	_ =	swait.ge [sflag:s12], $0x8000  }
0xdd: {  	p0 =	sne.s32 s7, $0x260;
	[sflag:s12] =	ssyncset.done $0x0  }
.Ltmp0:
0xde: {  	[sflag:s12] =	ssyncadd.s32 $0xFFFF8000;
	(pc) =	sbr.rel @p0 .LBB2_2-.Ltmp0, $4  }
0xdf: {  	[hbm4b:s11+s3] =	stream.linear.scatter [tilespmem:s14], [sflag:$0x3], $0x8000, $0x38;
	[tilespmem:$0x10200] =	vst v63  }
0xe0: {  	_ =	swait.ge [sflag:s12], $0x8000  }
0xe1: {  	s7 =	sadd.s32 $0x10, s7;
	[sflag:s12] =	ssyncset.done $0x0  }
0xe2: {  	s10 =	sadd.s32 $0x1000, s10;
	s11 =	sadd.s32 $0x1000, s11;
	[sflag:s12] =	ssyncadd.s32 $0xFFFF8000  }
0xe3: {  	s7 =	rddreg [dreg:$0x15];
	s8 =	simm.s32 $0x100  }
0xe4: {  	[tilespmem:s8], [sflag:$0x3] =	stream.linear.gather [hbm4b:s7+s3], $0x8, $0x38;
	[tilespmem:$0x10200] =	vst v63  }
0xe5: {  	_ =	swait.ge [sflag:s12], $0x8  }
0xe6: {  	[sflag:s12] =	ssyncset.done $0x0  }
0xe7: {  	s11 =	simm.s32 $0x180;
	s10 =	rddreg [dreg:$0x16];
	[sflag:s12] =	ssyncadd.s32 $0xFFFFFFF8  }
0xe8: {  	[tilespmem:s11], [sflag:$0x3] =	stream.linear.gather [hbm4b:s10+s3], $0x8, $0x38;
	[tilespmem:$0x10200] =	vst v63  }
0xe9: {  	_ =	swait.ge [sflag:s12], $0x8  }
0xea: {  	[sflag:s12] =	ssyncset.done $0x0  }
0xeb: {  	[sflag:s12] =	ssyncadd.s32 $0xFFFFFFF8  }
0xec: {  	v3 =	vld.msk [tilespmem:$0x100], $0xff;
	_ =	sdelay $0x4  }
0xed: {  	v4 =	vshll.u32 v3, $0x1  }
0xee: {  	v3 =	vand.u32 $0x7, v3;
	v4 =	vand.u32 $0xFFFFFFF0, v4  }
0xef: {  	v3 =	vor.u32 v3, v4  }
0xf0: {  	v3 =	vperm.xlane v3, v0;
	_ =	sdelay $0x1  }
0xf1: {  	v3 =	vadd.s32 v1, v3;
	_ =	sdelay $0x4  }
0xf2: {  	[tilespmem:s13], [sflag:$0x1] =	stream.indirect_vreg.gather [hbm4b:s2+s3], $0x80, v3, vm0, $0xb8;
	[tilespmem:$0x10200] =	vst v63  }
0xf3: {  	v3 =	vld.msk [tilespmem:$0x180], $0xff;
	_ =	sdelay $0x4  }
0xf4: {  	v63 =	vshll.u32 v3, $0x1  }
0xf5: {  	v3 =	vand.u32 $0x7, v3;
	v4 =	vand.u32 $0xFFFFFFF0, v63  }
0xf6: {  	v3 =	vor.u32 v3, v4  }
0xf7: {  	v3 =	vperm.xlane v3, v0;
	_ =	sdelay $0x1  }
0xf8: {  	v3 =	vadd.s32 v1, v3;
	_ =	sdelay $0x4  }
0xf9: {  	[tilespmem:s14], [sflag:$0x2] =	stream.indirect_vreg.gather [hbm4b:s4+s3], $0x80, v3, vm0, $0xb8;
	[tilespmem:$0x10200] =	vst v63  }
0xfa: {  	_ =	swait.ge [sflag:s31], $0x800  }
0xfb: {  	[sflag:s31] =	ssyncset.done $0x0  }
0xfc: {  	[sflag:s31] =	ssyncadd.s32 $0xFFFFF800  }
0xfd: {  	_ =	swait.ge [sflag:s0], $0x800  }
0xfe: {  	[sflag:s0] =	ssyncset.done $0x0  }
0xff: {  	s9 =	rddreg [dreg:$0x17];
	[sflag:s0] =	ssyncadd.s32 $0xFFFFF800  }
0x100: {  	[hbm4b:s9+s3] =	stream.linear.scatter [tilespmem:s13], [sflag:$0x3], $0x800, $0x38;
	[tilespmem:$0x10200] =	vst v63  }
0x101: {  	_ =	swait.ge [sflag:s12], $0x800  }
0x102: {  	[sflag:s12] =	ssyncset.done $0x0  }
0x103: {  	s10 =	rddreg [dreg:$0x18];
	[sflag:s12] =	ssyncadd.s32 $0xFFFFF800  }
0x104: {  	[hbm4b:s10+s3] =	stream.linear.scatter [tilespmem:s14], [sflag:$0x3], $0x800, $0x38;
	[tilespmem:$0x10200] =	vst v63  }
0x105: {  	_ =	swait.ge [sflag:s12], $0x800  }
0x106: {  	s1 =	sadd.s32 $0x1, s1;
	s11 =	rddreg [dreg:$0x19]  }
0x107: {  	p0 =	sne.s32 s1, s11  }
.Ltmp1:
0x108: {  	_ = 	snop;
	(pc) =	sbr.rel @p0 .LBB2_1-.Ltmp1, $3  }
0x109: {  	_ =	sdelay $0x1  }
0x10a: {  	[sflag:s12] =	ssyncset.done $0x0  }
0x10b: {  	[sflag:s12] =	ssyncadd.s32 $0xFFFFF800  }
0x10c: {  	_ =	sfence.sel $0x180000  }
0x10d: {  	[bflag:$0x0] =	sbarrier.arrive $0xFFFF  }
0x10e: {  	_ =	strace $0x90000047  }
0x10f: {  	s0 =	stileid.u32;
	[bflag:$0x2] =	sbarrier.arrive $0xFFFF  }
0x110: {  	p0 =	sne.s32 s0, $0x0;
	s0 =	rddreg [dreg:$0x2]  }
0x111: {  	s0 =	sadd.s32 @!p0 $0x100000, s0  }
0x112: {  	[sflag:s0] =	ssyncadd.tile.s32 @!p0 $0x1;
	_ =	shalt  }
.Lfunc_end2:
_tile_overlayer_lowered:
.L_overlay_start_2:
0x113: {  	(tag) =	ssettag $0x2  }
0x114: {  	s0 =	rddreg [dreg:$0x0];
	s2 =	stileid.u32  }
0x115: {  	s1 =	rddreg [dreg:$0x1];
	p0 =	sne.s32 s2, $0x0  }
0x116: {  	s3 =	rddreg [dreg:$0x2];
	[bflag:$0x3] =	sbarrier.arrive $0xFFFF;
	s2 =	simm.s32 @!p0 $0x1C03  }
0x117: {  	[timem:s3], [sflag:s2] =	dma.local @!p0 [hbm:s0], s1  }
0x118: {  	s0 =	simm.s32 @!p0 $0x3  }
0x119: {  	_ =	swait.ge @!p0 [sflag:s0], s1  }
0x11a: {  	s1 =	ssub.s32 @!p0 $0x0, s1;
	[sflag:s0] =	ssyncset.done @!p0 $0x0  }
0x11b: {  	[sflag:s0] =	ssyncadd.s32 @!p0 s1  }
0x11c: {  	[bflag:$0x3] =	sbarrier.arrive $0xFFFF  }
0x11d: {  	_ =	shalt  }

</sc_bundles>
